<compile_context>
chip_gen: v7x
topology: tpu7x:2x2x1
jax: 0.10.2.dev20260603
libtpu: 0.0.44.dev20260713+nightly
codegen_flags: <defaults>
</compile_context>

<pallas_src>
import functools

import jax
import jax.numpy as jnp
from jax import lax
from jax.experimental import pallas as pl
from jax.experimental.pallas import tpu as pltpu
from jax.experimental.pallas import tpu_sc as plsc

NUM_GRAPHS = 128
HIDDEN = 256
NLANE = 16
NCHUNK = HIDDEN // NLANE
HALF = NCHUNK // 2

NC = 2
NS = 16
NW = NC * NS
NEG_INF = float("-inf")


def _make_sc_pool(npad):
    rows_per_w = npad // NW
    tile = 112
    while rows_per_w % tile:
        tile //= 2
    n_tiles = rows_per_w // tile
    nst = NUM_GRAPHS + 32
    ntl = NW * n_tiles + 16
    mesh = plsc.VectorSubcoreMesh(core_axis_name="c", subcore_axis_name="s")

    def _sread(ref, i):
        return ref[pl.ds(i, 16)][0]

    @functools.partial(
        pl.kernel, mesh=mesh,
        out_type=jax.ShapeDtypeStruct((NW, 2, NUM_GRAPHS, HIDDEN),
                                      jnp.float32),
        scratch_types=[
            pltpu.VMEM((NUM_GRAPHS, HIDDEN), jnp.float32),
            pltpu.VMEM((NUM_GRAPHS, HIDDEN), jnp.float32),
            pltpu.VMEM((tile, HIDDEN), jnp.float32),
            pltpu.VMEM((nst,), jnp.int32),
            pltpu.VMEM((ntl,), jnp.int32),
            pltpu.VMEM((ntl,), jnp.int32),
        ],
    )
    def sc_pool(x_hbm, st_hbm, tf_hbm, tl_hbm, z_hbm, ninf_hbm, o_hbm,
                accs_v, accm_v, rows_v, st_sm, tf_sm, tl_sm):
        cid = lax.axis_index("c")
        sid = lax.axis_index("s")
        wid = sid * NC + cid

        pltpu.sync_copy(z_hbm, accs_v)
        pltpu.sync_copy(ninf_hbm, accm_v)
        pltpu.sync_copy(st_hbm, st_sm)
        pltpu.sync_copy(tf_hbm, tf_sm)
        pltpu.sync_copy(tl_hbm, tl_sm)

        @pl.loop(0, n_tiles)
        def _(t):
            base = wid * rows_per_w + t * tile
            pltpu.sync_copy(x_hbm.at[pl.ds(base, tile)], rows_v)
            tfirst = _sread(tf_sm, wid * n_tiles + t)
            tlast = _sread(tl_sm, wid * n_tiles + t)

            @pl.loop(tfirst, tlast + 1)
            def _(s):
                r0 = jnp.maximum(_sread(st_sm, s) - base, 0)
                r1 = jnp.maximum(
                    jnp.minimum(_sread(st_sm, s + 1) - base, tile), r0)
                for half in range(2):
                    c0 = half * HALF

                    def body(r, carry):
                        out = []
                        for c in range(HALF):
                            v = rows_v[r, pl.ds((c0 + c) * NLANE, NLANE)]
                            out.append(carry[c] + v)
                            out.append(jnp.maximum(carry[HALF + c], v))
                        return tuple(out[::2]) + tuple(out[1::2])

                    init = tuple(
                        jnp.zeros((NLANE,), jnp.float32)
                        for _ in range(HALF)) + tuple(
                        jnp.full((NLANE,), NEG_INF, jnp.float32)
                        for _ in range(HALF))
                    res = plsc.parallel_loop(
                        r0, r1, unroll=4, carry=init)(body)
                    for c in range(HALF):
                        sl = pl.ds((c0 + c) * NLANE, NLANE)
                        accs_v[s, sl] += res[c]
                        accm_v[s, sl] = jnp.maximum(accm_v[s, sl],
                                                    res[HALF + c])

        pltpu.sync_copy(accs_v, o_hbm.at[wid, 0])
        pltpu.sync_copy(accm_v, o_hbm.at[wid, 1])

    return sc_pool, tile


def _combine_kernel(p_ref, sv_ref, wt_ref, b_ref, o_ref, sm_ref, mx_ref):
    i = pl.program_id(0)

    @pl.when(i == 0)
    def _():
        sm_ref[...] = jnp.zeros_like(sm_ref)
        mx_ref[...] = jnp.full_like(mx_ref, NEG_INF)

    sm_ref[...] += p_ref[0, 0]
    mx_ref[...] = jnp.maximum(mx_ref[...], p_ref[0, 1])

    @pl.when(i == NW - 1)
    def _():
        sv = sv_ref[...]
        counts = sv[1:NUM_GRAPHS + 1, :] - sv[:NUM_GRAPHS, :]
        mean = sm_ref[...] / jnp.maximum(counts, 1.0)
        comb = jnp.concatenate([mx_ref[...], mean], axis=1)
        o_ref[...] = jax.lax.dot_general(
            comb, wt_ref[...], (((1,), (0,)), ((), ())),
            preferred_element_type=jnp.float32) + b_ref[...]


@jax.jit
def kernel(x, batch, W, b):
    n, h = x.shape
    batch = batch.astype(jnp.int32)
    npad = ((n + 8 * NW - 1) // (8 * NW)) * 8 * NW
    xp = jnp.pad(x, ((0, npad - n), (0, 0)))
    segc = jnp.minimum(
        jnp.pad(batch, (0, npad - n), constant_values=NUM_GRAPHS),
        NUM_GRAPHS - 1)
    starts = jnp.searchsorted(batch, jnp.arange(NUM_GRAPHS + 1,
                                                dtype=jnp.int32)
                              ).astype(jnp.int32)
    sv = jnp.pad(starts.astype(jnp.float32),
                 (0, 7)).reshape(NUM_GRAPHS + 8, 1)
    wt = W.T
    b2 = b.reshape(1, h)
    zeros = jnp.zeros((NUM_GRAPHS, h), jnp.float32)
    ninf = jnp.full((NUM_GRAPHS, h), NEG_INF, jnp.float32)

    sc_pool, tile = _make_sc_pool(npad)
    starts_i = jnp.pad(starts, (0, 31))
    tf = jnp.pad(segc[::tile], (0, 16))
    tl = jnp.pad(segc[tile - 1::tile], (0, 16))
    parts = sc_pool(xp, starts_i, tf, tl, zeros, ninf)

    out = pl.pallas_call(
        _combine_kernel,
        grid=(NW,),
        in_specs=[
            pl.BlockSpec((1, 2, NUM_GRAPHS, h), lambda i: (i, 0, 0, 0)),
            pl.BlockSpec((NUM_GRAPHS + 8, 1), lambda i: (0, 0)),
            pl.BlockSpec((2 * h, h), lambda i: (0, 0)),
            pl.BlockSpec((1, h), lambda i: (0, 0)),
        ],
        out_specs=pl.BlockSpec((NUM_GRAPHS, h), lambda i: (0, 0)),
        scratch_shapes=[
            pltpu.VMEM((NUM_GRAPHS, h), jnp.float32),
            pltpu.VMEM((NUM_GRAPHS, h), jnp.float32),
        ],
        out_shape=jax.ShapeDtypeStruct((NUM_GRAPHS, h), jnp.float32),
    )(parts, sv, wt, b2)
    return out

# --- scband reference (transcript-rebuilt; emitter-appended) ---
"""Pipeline reference for scband-hierarchical-pooling-6846177870426 (READ-ONLY COPY).

The authoritative reference and input builder live on the scoring server;
editing this copy changes nothing except your own understanding.
"""

import jax, jax.numpy as jnp
import numpy as np

NUM_GRAPHS = 128
N_NODES = 50000
HIDDEN = 256


def setup_inputs(seed: int = 0) -> dict:
    key = jax.random.key(seed)
    k1, k2, k3, k4 = jax.random.split(key, 4)
    x = jax.random.normal(k1, (N_NODES, HIDDEN), dtype=jnp.float32)
    batch = jnp.sort(jax.random.randint(k2, (N_NODES,), 0, NUM_GRAPHS, dtype=jnp.int64))
    # nn.Linear(hidden_dim * 2, hidden_dim): weight [out, in] = [HIDDEN, 2*HIDDEN], bias [HIDDEN]
    W = (jax.random.normal(k3, (HIDDEN, 2 * HIDDEN), dtype=jnp.float32) * 0.02)
    b = jnp.zeros((HIDDEN,), dtype=jnp.float32)
    return {"x": x, "batch": batch, "W": W, "b": b}


def reference(x, batch, W, b):
    # global_max_pool: per-graph max over node features
    local = jax.ops.segment_max(x, batch, num_segments=NUM_GRAPHS)
    # global_mean_pool: per-graph mean over node features
    sums = jax.ops.segment_sum(x, batch, num_segments=NUM_GRAPHS)
    counts = jax.ops.segment_sum(jnp.ones((x.shape[0], 1), dtype=x.dtype), batch, num_segments=NUM_GRAPHS)
    global_ = sums / jnp.maximum(counts, 1.0)
    combined = jnp.concatenate([local, global_], axis=-1)
    # nn.Linear: y = combined @ W.T + b
    return combined @ W.T + b

if __name__ == "__main__":
    import jax
    _d = setup_inputs()
    print(jax.jit(kernel)(*tuple(_d.values())))

</pallas_src>

<mosaic_0001>
#map = affine_map<(d0, d1) -> (0, 0)>
#map1 = affine_map<(d0, d1) -> (0)>
#map2 = affine_map<(d0, d1) -> (0, 0, 0, 0)>
module attributes {stable_mosaic.version = 14 : i64} {
  func.func @sc_pool(%arg0: i32, %arg1: i32, %arg2: memref<50176x256xf32, #tpu.memory_space<hbm>>, %arg3: memref<160xi32, #tpu.memory_space<hbm>>, %arg4: memref<464xi32, #tpu.memory_space<hbm>>, %arg5: memref<464xi32, #tpu.memory_space<hbm>>, %arg6: memref<128x256xf32, #tpu.memory_space<hbm>>, %arg7: memref<128x256xf32, #tpu.memory_space<hbm>>, %arg8: memref<32x2x128x256xf32, #tpu.memory_space<hbm>>, %arg9: memref<128x256xf32, #tpu.memory_space<vmem>>, %arg10: memref<128x256xf32, #tpu.memory_space<vmem>>, %arg11: memref<112x256xf32, #tpu.memory_space<vmem>>, %arg12: memref<160xi32, #tpu.memory_space<vmem>>, %arg13: memref<464xi32, #tpu.memory_space<vmem>>, %arg14: memref<464xi32, #tpu.memory_space<vmem>>) attributes {dimension_semantics = [#tpu.dimension_semantics<core_parallel>, #tpu.dimension_semantics<subcore_parallel>], iteration_bounds = array<i64: 2, 16>, scalar_prefetch = 0 : i64, scratch_operands = 6 : i64, tpu.core_type = #tpu.core_type<sc_vector_subcore>, window_params = [{transform_indices = #map}, {transform_indices = #map1}, {transform_indices = #map1}, {transform_indices = #map1}, {transform_indices = #map}, {transform_indices = #map}, {transform_indices = #map2}]} {
    %mul3A = arith.constant 2 : i32
    %mul3A_0 = arith.muli %arg1, %mul3A : i32
    %add3A = arith.addi %mul3A_0, %arg0 : i32
    "tpu.region"() ({
      %run_scoped3A_6 = tpu.sem_alloc : memref<!tpu.dma_semaphore, #tpu.memory_space<semaphore_mem>>
      tpu.enqueue_dma source(%arg6 : memref<128x256xf32, #tpu.memory_space<hbm>>) target(%arg9 : memref<128x256xf32, #tpu.memory_space<vmem>>) target_semaphore(%run_scoped3A_6 : memref<!tpu.dma_semaphore, #tpu.memory_space<semaphore_mem>>)
      tpu.wait_dma2 semaphore(%run_scoped3A_6 : memref<!tpu.dma_semaphore, #tpu.memory_space<semaphore_mem>>) src(%arg6 : memref<128x256xf32, #tpu.memory_space<hbm>>) dst(%arg9 : memref<128x256xf32, #tpu.memory_space<vmem>>)
      tpu.yield
    }) : () -> ()
    "tpu.region"() ({
      %run_scoped3A_6 = tpu.sem_alloc : memref<!tpu.dma_semaphore, #tpu.memory_space<semaphore_mem>>
      tpu.enqueue_dma source(%arg7 : memref<128x256xf32, #tpu.memory_space<hbm>>) target(%arg10 : memref<128x256xf32, #tpu.memory_space<vmem>>) target_semaphore(%run_scoped3A_6 : memref<!tpu.dma_semaphore, #tpu.memory_space<semaphore_mem>>)
      tpu.wait_dma2 semaphore(%run_scoped3A_6 : memref<!tpu.dma_semaphore, #tpu.memory_space<semaphore_mem>>) src(%arg7 : memref<128x256xf32, #tpu.memory_space<hbm>>) dst(%arg10 : memref<128x256xf32, #tpu.memory_space<vmem>>)
      tpu.yield
    }) : () -> ()
    "tpu.region"() ({
      %run_scoped3A_6 = tpu.sem_alloc : memref<!tpu.dma_semaphore, #tpu.memory_space<semaphore_mem>>
      tpu.enqueue_dma source(%arg3 : memref<160xi32, #tpu.memory_space<hbm>>) target(%arg12 : memref<160xi32, #tpu.memory_space<vmem>>) target_semaphore(%run_scoped3A_6 : memref<!tpu.dma_semaphore, #tpu.memory_space<semaphore_mem>>)
      tpu.wait_dma2 semaphore(%run_scoped3A_6 : memref<!tpu.dma_semaphore, #tpu.memory_space<semaphore_mem>>) src(%arg3 : memref<160xi32, #tpu.memory_space<hbm>>) dst(%arg12 : memref<160xi32, #tpu.memory_space<vmem>>)
      tpu.yield
    }) : () -> ()
    "tpu.region"() ({
      %run_scoped3A_6 = tpu.sem_alloc : memref<!tpu.dma_semaphore, #tpu.memory_space<semaphore_mem>>
      tpu.enqueue_dma source(%arg4 : memref<464xi32, #tpu.memory_space<hbm>>) target(%arg13 : memref<464xi32, #tpu.memory_space<vmem>>) target_semaphore(%run_scoped3A_6 : memref<!tpu.dma_semaphore, #tpu.memory_space<semaphore_mem>>)
      tpu.wait_dma2 semaphore(%run_scoped3A_6 : memref<!tpu.dma_semaphore, #tpu.memory_space<semaphore_mem>>) src(%arg4 : memref<464xi32, #tpu.memory_space<hbm>>) dst(%arg13 : memref<464xi32, #tpu.memory_space<vmem>>)
      tpu.yield
    }) : () -> ()
    "tpu.region"() ({
      %run_scoped3A_6 = tpu.sem_alloc : memref<!tpu.dma_semaphore, #tpu.memory_space<semaphore_mem>>
      tpu.enqueue_dma source(%arg5 : memref<464xi32, #tpu.memory_space<hbm>>) target(%arg14 : memref<464xi32, #tpu.memory_space<vmem>>) target_semaphore(%run_scoped3A_6 : memref<!tpu.dma_semaphore, #tpu.memory_space<semaphore_mem>>)
      tpu.wait_dma2 semaphore(%run_scoped3A_6 : memref<!tpu.dma_semaphore, #tpu.memory_space<semaphore_mem>>) src(%arg5 : memref<464xi32, #tpu.memory_space<hbm>>) dst(%arg14 : memref<464xi32, #tpu.memory_space<vmem>>)
      tpu.yield
    }) : () -> ()
    %scan3A = arith.constant 0 : i32
    %scan3A_1 = arith.constant 14 : i32
    %scan3A_2 = arith.addi %scan3A, %scan3A_1 : i32
    %scan3A_3 = arith.constant 1 : i32
    scf.for %scan3A_6 = %scan3A to %scan3A_2 step %scan3A_3  : i32 {
      %mul3A_7 = arith.constant 1 : i32
      %mul3A_8 = arith.muli %scan3A_6, %mul3A_7 : i32
      %add3A_9 = arith.constant 0 : i32
      %add3A_10 = arith.addi %add3A_9, %mul3A_8 : i32
      %mul3A_11 = arith.constant 1568 : i32
      %mul3A_12 = arith.muli %add3A, %mul3A_11 : i32
      %mul3A_13 = arith.constant 112 : i32
      %mul3A_14 = arith.muli %add3A_10, %mul3A_13 : i32
      %add3A_15 = arith.addi %mul3A_12, %mul3A_14 : i32
      "tpu.region"() ({
        %run_scoped3A_45 = tpu.sem_alloc : memref<!tpu.dma_semaphore, #tpu.memory_space<semaphore_mem>>
        %dma_start3A = arith.constant 0 : i32
        %dma_start3A_46 = tpu.memref_slice %arg2[%add3A_15, %dma_start3A] : memref<50176x256xf32, #tpu.memory_space<hbm>> -> memref<112x256xf32, #tpu.memory_space<hbm>>
        %dma_start3A_47 = arith.constant 0 : i32
        %dma_start3A_48 = tpu.memref_slice %arg2[%add3A_15, %dma_start3A_47] : memref<50176x256xf32, #tpu.memory_space<hbm>> -> memref<112x256xf32, #tpu.memory_space<hbm>>
        tpu.enqueue_dma source(%dma_start3A_48 : memref<112x256xf32, #tpu.memory_space<hbm>>) target(%arg11 : memref<112x256xf32, #tpu.memory_space<vmem>>) target_semaphore(%run_scoped3A_45 : memref<!tpu.dma_semaphore, #tpu.memory_space<semaphore_mem>>)
        %dma_wait3A = arith.constant 0 : i32
        %dma_wait3A_49 = tpu.memref_slice %arg2[%add3A_15, %dma_wait3A] : memref<50176x256xf32, #tpu.memory_space<hbm>> -> memref<112x256xf32, #tpu.memory_space<hbm>>
        %dma_wait3A_50 = arith.constant 0 : i32
        %dma_wait3A_51 = tpu.memref_slice %arg2[%add3A_15, %dma_wait3A_50] : memref<50176x256xf32, #tpu.memory_space<hbm>> -> memref<112x256xf32, #tpu.memory_space<hbm>>
        tpu.wait_dma2 semaphore(%run_scoped3A_45 : memref<!tpu.dma_semaphore, #tpu.memory_space<semaphore_mem>>) src(%dma_wait3A_51 : memref<112x256xf32, #tpu.memory_space<hbm>>) dst(%arg11 : memref<112x256xf32, #tpu.memory_space<vmem>>)
        tpu.yield
      }) : () -> ()
      %mul3A_16 = arith.constant 14 : i32
      %mul3A_17 = arith.muli %add3A, %mul3A_16 : i32
      %add3A_18 = arith.addi %mul3A_17, %add3A_10 : i32
      %get3A = arith.index_cast %add3A_18 : i32 to index
      %get3A_19 = tpu.vector_load %arg13[%get3A] {strides = array<i32>} : memref<464xi32, #tpu.memory_space<vmem>>, vector<16xi32>,
      %get3A_20 = vector.shape_cast %get3A_19 : vector<16xi32> to vector<16xi32>
      %slice3A = vector.extract_strided_slice %get3A_20 {offsets = [0], sizes = [1], strides = [1]} : vector<16xi32> to vector<1xi32>
      %squeeze3A = vector.extract %slice3A[0] : i32 from vector<1xi32>
      %mul3A_21 = arith.constant 14 : i32
      %mul3A_22 = arith.muli %add3A, %mul3A_21 : i32
      %add3A_23 = arith.addi %mul3A_22, %add3A_10 : i32
      %get3A_24 = arith.index_cast %add3A_23 : i32 to index
      %get3A_25 = tpu.vector_load %arg14[%get3A_24] {strides = array<i32>} : memref<464xi32, #tpu.memory_space<vmem>>, vector<16xi32>,
      %get3A_26 = vector.shape_cast %get3A_25 : vector<16xi32> to vector<16xi32>
      %slice3A_27 = vector.extract_strided_slice %get3A_26 {offsets = [0], sizes = [1], strides = [1]} : vector<16xi32> to vector<1xi32>
      %squeeze3A_28 = vector.extract %slice3A_27[0] : i32 from vector<1xi32>
      %add3A_29 = arith.constant 1 : i32
      %add3A_30 = arith.addi %squeeze3A_28, %add3A_29 : i32
      %sub3A = arith.subi %add3A_30, %squeeze3A : i32
      %sub3A_31 = arith.constant 1 : i32
      %sub3A_32 = arith.constant 1 : i32
      %sub3A_33 = arith.subi %sub3A_31, %sub3A_32 : i32
      %add3A_34 = arith.addi %sub3A, %sub3A_33 : i32
      %div3A = arith.constant 1 : i32
      %div3A_35 = arith.divsi %add3A_34, %div3A : i32
      %while3A = arith.constant 1 : i32
      %while3A_36 = arith.constant 0 : i32
      %while3A_37 = arith.subi %div3A_35, %while3A_36 : i32
      %while3A_38 = arith.addi %while3A_36, %while3A_37 : i32
      %while3A_39 = arith.constant 1 : i32
      %while3A_40 = arith.divsi %while3A_37, %while3A_39 : i32
      %while3A_41 = arith.muli %while3A_40, %while3A_39 : i32
      %while3A_42 = arith.addi %while3A_36, %while3A_41 : i32
      %while3A_43 = arith.constant 1 : i32
      scf.for %while3A_45 = %while3A_36 to %while3A_42 step %while3A_43  : i32 {
        %mul3A_46 = arith.muli %while3A_45, %while3A : i32
        %add3A_47 = arith.addi %squeeze3A, %mul3A_46 : i32
        %get3A_48 = arith.index_cast %add3A_47 : i32 to index
        %get3A_49 = tpu.vector_load %arg12[%get3A_48] {strides = array<i32>} : memref<160xi32, #tpu.memory_space<vmem>>, vector<16xi32>,
        %get3A_50 = vector.shape_cast %get3A_49 : vector<16xi32> to vector<16xi32>
        %slice3A_51 = vector.extract_strided_slice %get3A_50 {offsets = [0], sizes = [1], strides = [1]} : vector<16xi32> to vector<1xi32>
        %squeeze3A_52 = vector.extract %slice3A_51[0] : i32 from vector<1xi32>
        %sub3A_53 = arith.subi %squeeze3A_52, %add3A_15 : i32
        %max3A = arith.constant 0 : i32
        %max3A_54 = arith.maxsi %sub3A_53, %max3A : i32
        %add3A_55 = arith.constant 1 : i32
        %add3A_56 = arith.addi %add3A_47, %add3A_55 : i32
        %get3A_57 = arith.index_cast %add3A_56 : i32 to index
        %get3A_58 = tpu.vector_load %arg12[%get3A_57] {strides = array<i32>} : memref<160xi32, #tpu.memory_space<vmem>>, vector<16xi32>,
        %get3A_59 = vector.shape_cast %get3A_58 : vector<16xi32> to vector<16xi32>
        %slice3A_60 = vector.extract_strided_slice %get3A_59 {offsets = [0], sizes = [1], strides = [1]} : vector<16xi32> to vector<1xi32>
        %squeeze3A_61 = vector.extract %slice3A_60[0] : i32 from vector<1xi32>
        %sub3A_62 = arith.subi %squeeze3A_61, %add3A_15 : i32
        %min3A = arith.constant 112 : i32
        %min3A_63 = arith.minsi %sub3A_62, %min3A : i32
        %max3A_64 = arith.maxsi %min3A_63, %max3A_54 : i32
        %broadcast_in_dim3A = arith.constant 0.000000e+00 : f32
        %broadcast_in_dim3A_65 = vector.broadcast %broadcast_in_dim3A : f32 to vector<16xf32>
        %broadcast_in_dim3A_66 = arith.constant 0.000000e+00 : f32
        %broadcast_in_dim3A_67 = vector.broadcast %broadcast_in_dim3A_66 : f32 to vector<16xf32>
        %broadcast_in_dim3A_68 = arith.constant 0.000000e+00 : f32
        %broadcast_in_dim3A_69 = vector.broadcast %broadcast_in_dim3A_68 : f32 to vector<16xf32>
        %broadcast_in_dim3A_70 = arith.constant 0.000000e+00 : f32
        %broadcast_in_dim3A_71 = vector.broadcast %broadcast_in_dim3A_70 : f32 to vector<16xf32>
        %broadcast_in_dim3A_72 = arith.constant 0.000000e+00 : f32
        %broadcast_in_dim3A_73 = vector.broadcast %broadcast_in_dim3A_72 : f32 to vector<16xf32>
        %broadcast_in_dim3A_74 = arith.constant 0.000000e+00 : f32
        %broadcast_in_dim3A_75 = vector.broadcast %broadcast_in_dim3A_74 : f32 to vector<16xf32>
        %broadcast_in_dim3A_76 = arith.constant 0.000000e+00 : f32
        %broadcast_in_dim3A_77 = vector.broadcast %broadcast_in_dim3A_76 : f32 to vector<16xf32>
        %broadcast_in_dim3A_78 = arith.constant 0.000000e+00 : f32
        %broadcast_in_dim3A_79 = vector.broadcast %broadcast_in_dim3A_78 : f32 to vector<16xf32>
        %broadcast_in_dim3A_80 = arith.constant 0xFF800000 : f32
        %broadcast_in_dim3A_81 = vector.broadcast %broadcast_in_dim3A_80 : f32 to vector<16xf32>
        %broadcast_in_dim3A_82 = arith.constant 0xFF800000 : f32
        %broadcast_in_dim3A_83 = vector.broadcast %broadcast_in_dim3A_82 : f32 to vector<16xf32>
        %broadcast_in_dim3A_84 = arith.constant 0xFF800000 : f32
        %broadcast_in_dim3A_85 = vector.broadcast %broadcast_in_dim3A_84 : f32 to vector<16xf32>
        %broadcast_in_dim3A_86 = arith.constant 0xFF800000 : f32
        %broadcast_in_dim3A_87 = vector.broadcast %broadcast_in_dim3A_86 : f32 to vector<16xf32>
        %broadcast_in_dim3A_88 = arith.constant 0xFF800000 : f32
        %broadcast_in_dim3A_89 = vector.broadcast %broadcast_in_dim3A_88 : f32 to vector<16xf32>
        %broadcast_in_dim3A_90 = arith.constant 0xFF800000 : f32
        %broadcast_in_dim3A_91 = vector.broadcast %broadcast_in_dim3A_90 : f32 to vector<16xf32>
        %broadcast_in_dim3A_92 = arith.constant 0xFF800000 : f32
        %broadcast_in_dim3A_93 = vector.broadcast %broadcast_in_dim3A_92 : f32 to vector<16xf32>
        %broadcast_in_dim3A_94 = arith.constant 0xFF800000 : f32
        %broadcast_in_dim3A_95 = vector.broadcast %broadcast_in_dim3A_94 : f32 to vector<16xf32>
        %parallel_loop3A = arith.constant 1 : i32
        %parallel_loop3A_96:16 = scf.for %parallel_loop3A_450 = %max3A_54 to %max3A_64 step %parallel_loop3A iter_args(%parallel_loop3A_451 = %broadcast_in_dim3A_65, %parallel_loop3A_452 = %broadcast_in_dim3A_67, %parallel_loop3A_453 = %broadcast_in_dim3A_69, %parallel_loop3A_454 = %broadcast_in_dim3A_71, %parallel_loop3A_455 = %broadcast_in_dim3A_73, %parallel_loop3A_456 = %broadcast_in_dim3A_75, %parallel_loop3A_457 = %broadcast_in_dim3A_77, %parallel_loop3A_458 = %broadcast_in_dim3A_79, %parallel_loop3A_459 = %broadcast_in_dim3A_81, %parallel_loop3A_460 = %broadcast_in_dim3A_83, %parallel_loop3A_461 = %broadcast_in_dim3A_85, %parallel_loop3A_462 = %broadcast_in_dim3A_87, %parallel_loop3A_463 = %broadcast_in_dim3A_89, %parallel_loop3A_464 = %broadcast_in_dim3A_91, %parallel_loop3A_465 = %broadcast_in_dim3A_93, %parallel_loop3A_466 = %broadcast_in_dim3A_95) -> (vector<16xf32>, vector<16xf32>, vector<16xf32>, vector<16xf32>, vector<16xf32>, vector<16xf32>, vector<16xf32>, vector<16xf32>, vector<16xf32>, vector<16xf32>, vector<16xf32>, vector<16xf32>, vector<16xf32>, vector<16xf32>, vector<16xf32>, vector<16xf32>)  : i32 {
          %parallel_loop3A_467 = arith.index_cast %parallel_loop3A_450 : i32 to index
          %parallel_loop3A_468 = arith.constant 0 : index
          %parallel_loop3A_469 = tpu.vector_load %arg11[%parallel_loop3A_467, %parallel_loop3A_468] {strides = array<i32>} : memref<112x256xf32, #tpu.memory_space<vmem>>, vector<1x16xf32>,
          %parallel_loop3A_470 = vector.shape_cast %parallel_loop3A_469 : vector<1x16xf32> to vector<16xf32>
          %parallel_loop3A_471 = arith.addf %parallel_loop3A_451, %parallel_loop3A_470 : vector<16xf32>
          %parallel_loop3A_472 = arith.maximumf %parallel_loop3A_459, %parallel_loop3A_470 : vector<16xf32>
          %parallel_loop3A_473 = arith.index_cast %parallel_loop3A_450 : i32 to index
          %parallel_loop3A_474 = arith.constant 16 : index
          %parallel_loop3A_475 = tpu.vector_load %arg11[%parallel_loop3A_473, %parallel_loop3A_474] {strides = array<i32>} : memref<112x256xf32, #tpu.memory_space<vmem>>, vector<1x16xf32>,
          %parallel_loop3A_476 = vector.shape_cast %parallel_loop3A_475 : vector<1x16xf32> to vector<16xf32>
          %parallel_loop3A_477 = arith.addf %parallel_loop3A_452, %parallel_loop3A_476 : vector<16xf32>
          %parallel_loop3A_478 = arith.maximumf %parallel_loop3A_460, %parallel_loop3A_476 : vector<16xf32>
          %parallel_loop3A_479 = arith.index_cast %parallel_loop3A_450 : i32 to index
          %parallel_loop3A_480 = arith.constant 32 : index
          %parallel_loop3A_481 = tpu.vector_load %arg11[%parallel_loop3A_479, %parallel_loop3A_480] {strides = array<i32>} : memref<112x256xf32, #tpu.memory_space<vmem>>, vector<1x16xf32>,
          %parallel_loop3A_482 = vector.shape_cast %parallel_loop3A_481 : vector<1x16xf32> to vector<16xf32>
          %parallel_loop3A_483 = arith.addf %parallel_loop3A_453, %parallel_loop3A_482 : vector<16xf32>
          %parallel_loop3A_484 = arith.maximumf %parallel_loop3A_461, %parallel_loop3A_482 : vector<16xf32>
          %parallel_loop3A_485 = arith.index_cast %parallel_loop3A_450 : i32 to index
          %parallel_loop3A_486 = arith.constant 48 : index
          %parallel_loop3A_487 = tpu.vector_load %arg11[%parallel_loop3A_485, %parallel_loop3A_486] {strides = array<i32>} : memref<112x256xf32, #tpu.memory_space<vmem>>, vector<1x16xf32>,
          %parallel_loop3A_488 = vector.shape_cast %parallel_loop3A_487 : vector<1x16xf32> to vector<16xf32>
          %parallel_loop3A_489 = arith.addf %parallel_loop3A_454, %parallel_loop3A_488 : vector<16xf32>
          %parallel_loop3A_490 = arith.maximumf %parallel_loop3A_462, %parallel_loop3A_488 : vector<16xf32>
          %parallel_loop3A_491 = arith.index_cast %parallel_loop3A_450 : i32 to index
          %parallel_loop3A_492 = arith.constant 64 : index
          %parallel_loop3A_493 = tpu.vector_load %arg11[%parallel_loop3A_491, %parallel_loop3A_492] {strides = array<i32>} : memref<112x256xf32, #tpu.memory_space<vmem>>, vector<1x16xf32>,
          %parallel_loop3A_494 = vector.shape_cast %parallel_loop3A_493 : vector<1x16xf32> to vector<16xf32>
          %parallel_loop3A_495 = arith.addf %parallel_loop3A_455, %parallel_loop3A_494 : vector<16xf32>
          %parallel_loop3A_496 = arith.maximumf %parallel_loop3A_463, %parallel_loop3A_494 : vector<16xf32>
          %parallel_loop3A_497 = arith.index_cast %parallel_loop3A_450 : i32 to index
          %parallel_loop3A_498 = arith.constant 80 : index
          %parallel_loop3A_499 = tpu.vector_load %arg11[%parallel_loop3A_497, %parallel_loop3A_498] {strides = array<i32>} : memref<112x256xf32, #tpu.memory_space<vmem>>, vector<1x16xf32>,
          %parallel_loop3A_500 = vector.shape_cast %parallel_loop3A_499 : vector<1x16xf32> to vector<16xf32>
          %parallel_loop3A_501 = arith.addf %parallel_loop3A_456, %parallel_loop3A_500 : vector<16xf32>
          %parallel_loop3A_502 = arith.maximumf %parallel_loop3A_464, %parallel_loop3A_500 : vector<16xf32>
          %parallel_loop3A_503 = arith.index_cast %parallel_loop3A_450 : i32 to index
          %parallel_loop3A_504 = arith.constant 96 : index
          %parallel_loop3A_505 = tpu.vector_load %arg11[%parallel_loop3A_503, %parallel_loop3A_504] {strides = array<i32>} : memref<112x256xf32, #tpu.memory_space<vmem>>, vector<1x16xf32>,
          %parallel_loop3A_506 = vector.shape_cast %parallel_loop3A_505 : vector<1x16xf32> to vector<16xf32>
          %parallel_loop3A_507 = arith.addf %parallel_loop3A_457, %parallel_loop3A_506 : vector<16xf32>
          %parallel_loop3A_508 = arith.maximumf %parallel_loop3A_465, %parallel_loop3A_506 : vector<16xf32>
          %parallel_loop3A_509 = arith.index_cast %parallel_loop3A_450 : i32 to index
          %parallel_loop3A_510 = arith.constant 112 : index
          %parallel_loop3A_511 = tpu.vector_load %arg11[%parallel_loop3A_509, %parallel_loop3A_510] {strides = array<i32>} : memref<112x256xf32, #tpu.memory_space<vmem>>, vector<1x16xf32>,
          %parallel_loop3A_512 = vector.shape_cast %parallel_loop3A_511 : vector<1x16xf32> to vector<16xf32>
          %parallel_loop3A_513 = arith.addf %parallel_loop3A_458, %parallel_loop3A_512 : vector<16xf32>
          %parallel_loop3A_514 = arith.maximumf %parallel_loop3A_466, %parallel_loop3A_512 : vector<16xf32>
          scf.yield %parallel_loop3A_471, %parallel_loop3A_477, %parallel_loop3A_483, %parallel_loop3A_489, %parallel_loop3A_495, %parallel_loop3A_501, %parallel_loop3A_507, %parallel_loop3A_513, %parallel_loop3A_472, %parallel_loop3A_478, %parallel_loop3A_484, %parallel_loop3A_490, %parallel_loop3A_496, %parallel_loop3A_502, %parallel_loop3A_508, %parallel_loop3A_514 : vector<16xf32>, vector<16xf32>, vector<16xf32>, vector<16xf32>, vector<16xf32>, vector<16xf32>, vector<16xf32>, vector<16xf32>, vector<16xf32>, vector<16xf32>, vector<16xf32>, vector<16xf32>, vector<16xf32>, vector<16xf32>, vector<16xf32>, vector<16xf32>
        } {sc.loop_unroll_factor = 4 : i64, sc.parallel_access}
        %get3A_97 = arith.index_cast %add3A_47 : i32 to index
        %get3A_98 = arith.constant 0 : index
        %get3A_99 = tpu.vector_load %arg9[%get3A_97, %get3A_98] {strides = array<i32>} : memref<128x256xf32, #tpu.memory_space<vmem>>, vector<1x16xf32>,
        %get3A_100 = vector.shape_cast %get3A_99 : vector<1x16xf32> to vector<16xf32>
        %add3A_101 = arith.addf %get3A_100, %parallel_loop3A_96#0 : vector<16xf32>
        %swap3A = arith.index_cast %add3A_47 : i32 to index
        %swap3A_102 = arith.constant 0 : index
        %swap3A_103 = tpu.vector_load %arg9[%swap3A, %swap3A_102] {strides = array<i32>} : memref<128x256xf32, #tpu.memory_space<vmem>>, vector<1x16xf32>,
        %swap3A_104 = vector.shape_cast %swap3A_103 : vector<1x16xf32> to vector<16xf32>
        %swap3A_105 = vector.shape_cast %add3A_101 : vector<16xf32> to vector<1x16xf32>
        tpu.vector_store %arg9[%swap3A, %swap3A_102], %swap3A_105 {strides = array<i32>} : memref<128x256xf32, #tpu.memory_space<vmem>>, vector<1x16xf32>,
        %get3A_106 = arith.index_cast %add3A_47 : i32 to index
        %get3A_107 = arith.constant 0 : index
        %get3A_108 = tpu.vector_load %arg10[%get3A_106, %get3A_107] {strides = array<i32>} : memref<128x256xf32, #tpu.memory_space<vmem>>, vector<1x16xf32>,
        %get3A_109 = vector.shape_cast %get3A_108 : vector<1x16xf32> to vector<16xf32>
        %max3A_110 = arith.maximumf %get3A_109, %parallel_loop3A_96#8 : vector<16xf32>
        %swap3A_111 = arith.index_cast %add3A_47 : i32 to index
        %swap3A_112 = arith.constant 0 : index
        %swap3A_113 = tpu.vector_load %arg10[%swap3A_111, %swap3A_112] {strides = array<i32>} : memref<128x256xf32, #tpu.memory_space<vmem>>, vector<1x16xf32>,
        %swap3A_114 = vector.shape_cast %swap3A_113 : vector<1x16xf32> to vector<16xf32>
        %swap3A_115 = vector.shape_cast %max3A_110 : vector<16xf32> to vector<1x16xf32>
        tpu.vector_store %arg10[%swap3A_111, %swap3A_112], %swap3A_115 {strides = array<i32>} : memref<128x256xf32, #tpu.memory_space<vmem>>, vector<1x16xf32>,
        %get3A_116 = arith.index_cast %add3A_47 : i32 to index
        %get3A_117 = arith.constant 16 : index
        %get3A_118 = tpu.vector_load %arg9[%get3A_116, %get3A_117] {strides = array<i32>} : memref<128x256xf32, #tpu.memory_space<vmem>>, vector<1x16xf32>,
        %get3A_119 = vector.shape_cast %get3A_118 : vector<1x16xf32> to vector<16xf32>
        %add3A_120 = arith.addf %get3A_119, %parallel_loop3A_96#1 : vector<16xf32>
        %swap3A_121 = arith.index_cast %add3A_47 : i32 to index
        %swap3A_122 = arith.constant 16 : index
        %swap3A_123 = tpu.vector_load %arg9[%swap3A_121, %swap3A_122] {strides = array<i32>} : memref<128x256xf32, #tpu.memory_space<vmem>>, vector<1x16xf32>,
        %swap3A_124 = vector.shape_cast %swap3A_123 : vector<1x16xf32> to vector<16xf32>
        %swap3A_125 = vector.shape_cast %add3A_120 : vector<16xf32> to vector<1x16xf32>
        tpu.vector_store %arg9[%swap3A_121, %swap3A_122], %swap3A_125 {strides = array<i32>} : memref<128x256xf32, #tpu.memory_space<vmem>>, vector<1x16xf32>,
        %get3A_126 = arith.index_cast %add3A_47 : i32 to index
        %get3A_127 = arith.constant 16 : index
        %get3A_128 = tpu.vector_load %arg10[%get3A_126, %get3A_127] {strides = array<i32>} : memref<128x256xf32, #tpu.memory_space<vmem>>, vector<1x16xf32>,
        %get3A_129 = vector.shape_cast %get3A_128 : vector<1x16xf32> to vector<16xf32>
        %max3A_130 = arith.maximumf %get3A_129, %parallel_loop3A_96#9 : vector<16xf32>
        %swap3A_131 = arith.index_cast %add3A_47 : i32 to index
        %swap3A_132 = arith.constant 16 : index
        %swap3A_133 = tpu.vector_load %arg10[%swap3A_131, %swap3A_132] {strides = array<i32>} : memref<128x256xf32, #tpu.memory_space<vmem>>, vector<1x16xf32>,
        %swap3A_134 = vector.shape_cast %swap3A_133 : vector<1x16xf32> to vector<16xf32>
        %swap3A_135 = vector.shape_cast %max3A_130 : vector<16xf32> to vector<1x16xf32>
        tpu.vector_store %arg10[%swap3A_131, %swap3A_132], %swap3A_135 {strides = array<i32>} : memref<128x256xf32, #tpu.memory_space<vmem>>, vector<1x16xf32>,
        %get3A_136 = arith.index_cast %add3A_47 : i32 to index
        %get3A_137 = arith.constant 32 : index
        %get3A_138 = tpu.vector_load %arg9[%get3A_136, %get3A_137] {strides = array<i32>} : memref<128x256xf32, #tpu.memory_space<vmem>>, vector<1x16xf32>,
        %get3A_139 = vector.shape_cast %get3A_138 : vector<1x16xf32> to vector<16xf32>
        %add3A_140 = arith.addf %get3A_139, %parallel_loop3A_96#2 : vector<16xf32>
        %swap3A_141 = arith.index_cast %add3A_47 : i32 to index
        %swap3A_142 = arith.constant 32 : index
        %swap3A_143 = tpu.vector_load %arg9[%swap3A_141, %swap3A_142] {strides = array<i32>} : memref<128x256xf32, #tpu.memory_space<vmem>>, vector<1x16xf32>,
        %swap3A_144 = vector.shape_cast %swap3A_143 : vector<1x16xf32> to vector<16xf32>
        %swap3A_145 = vector.shape_cast %add3A_140 : vector<16xf32> to vector<1x16xf32>
        tpu.vector_store %arg9[%swap3A_141, %swap3A_142], %swap3A_145 {strides = array<i32>} : memref<128x256xf32, #tpu.memory_space<vmem>>, vector<1x16xf32>,
        %get3A_146 = arith.index_cast %add3A_47 : i32 to index
        %get3A_147 = arith.constant 32 : index
        %get3A_148 = tpu.vector_load %arg10[%get3A_146, %get3A_147] {strides = array<i32>} : memref<128x256xf32, #tpu.memory_space<vmem>>, vector<1x16xf32>,
        %get3A_149 = vector.shape_cast %get3A_148 : vector<1x16xf32> to vector<16xf32>
        %max3A_150 = arith.maximumf %get3A_149, %parallel_loop3A_96#10 : vector<16xf32>
        %swap3A_151 = arith.index_cast %add3A_47 : i32 to index
        %swap3A_152 = arith.constant 32 : index
        %swap3A_153 = tpu.vector_load %arg10[%swap3A_151, %swap3A_152] {strides = array<i32>} : memref<128x256xf32, #tpu.memory_space<vmem>>, vector<1x16xf32>,
        %swap3A_154 = vector.shape_cast %swap3A_153 : vector<1x16xf32> to vector<16xf32>
        %swap3A_155 = vector.shape_cast %max3A_150 : vector<16xf32> to vector<1x16xf32>
        tpu.vector_store %arg10[%swap3A_151, %swap3A_152], %swap3A_155 {strides = array<i32>} : memref<128x256xf32, #tpu.memory_space<vmem>>, vector<1x16xf32>,
        %get3A_156 = arith.index_cast %add3A_47 : i32 to index
        %get3A_157 = arith.constant 48 : index
        %get3A_158 = tpu.vector_load %arg9[%get3A_156, %get3A_157] {strides = array<i32>} : memref<128x256xf32, #tpu.memory_space<vmem>>, vector<1x16xf32>,
        %get3A_159 = vector.shape_cast %get3A_158 : vector<1x16xf32> to vector<16xf32>
        %add3A_160 = arith.addf %get3A_159, %parallel_loop3A_96#3 : vector<16xf32>
        %swap3A_161 = arith.index_cast %add3A_47 : i32 to index
        %swap3A_162 = arith.constant 48 : index
        %swap3A_163 = tpu.vector_load %arg9[%swap3A_161, %swap3A_162] {strides = array<i32>} : memref<128x256xf32, #tpu.memory_space<vmem>>, vector<1x16xf32>,
        %swap3A_164 = vector.shape_cast %swap3A_163 : vector<1x16xf32> to vector<16xf32>
        %swap3A_165 = vector.shape_cast %add3A_160 : vector<16xf32> to vector<1x16xf32>
        tpu.vector_store %arg9[%swap3A_161, %swap3A_162], %swap3A_165 {strides = array<i32>} : memref<128x256xf32, #tpu.memory_space<vmem>>, vector<1x16xf32>,
        %get3A_166 = arith.index_cast %add3A_47 : i32 to index
        %get3A_167 = arith.constant 48 : index
        %get3A_168 = tpu.vector_load %arg10[%get3A_166, %get3A_167] {strides = array<i32>} : memref<128x256xf32, #tpu.memory_space<vmem>>, vector<1x16xf32>,
        %get3A_169 = vector.shape_cast %get3A_168 : vector<1x16xf32> to vector<16xf32>
        %max3A_170 = arith.maximumf %get3A_169, %parallel_loop3A_96#11 : vector<16xf32>
        %swap3A_171 = arith.index_cast %add3A_47 : i32 to index
        %swap3A_172 = arith.constant 48 : index
        %swap3A_173 = tpu.vector_load %arg10[%swap3A_171, %swap3A_172] {strides = array<i32>} : memref<128x256xf32, #tpu.memory_space<vmem>>, vector<1x16xf32>,
        %swap3A_174 = vector.shape_cast %swap3A_173 : vector<1x16xf32> to vector<16xf32>
        %swap3A_175 = vector.shape_cast %max3A_170 : vector<16xf32> to vector<1x16xf32>
        tpu.vector_store %arg10[%swap3A_171, %swap3A_172], %swap3A_175 {strides = array<i32>} : memref<128x256xf32, #tpu.memory_space<vmem>>, vector<1x16xf32>,
        %get3A_176 = arith.index_cast %add3A_47 : i32 to index
        %get3A_177 = arith.constant 64 : index
        %get3A_178 = tpu.vector_load %arg9[%get3A_176, %get3A_177] {strides = array<i32>} : memref<128x256xf32, #tpu.memory_space<vmem>>, vector<1x16xf32>,
        %get3A_179 = vector.shape_cast %get3A_178 : vector<1x16xf32> to vector<16xf32>
        %add3A_180 = arith.addf %get3A_179, %parallel_loop3A_96#4 : vector<16xf32>
        %swap3A_181 = arith.index_cast %add3A_47 : i32 to index
        %swap3A_182 = arith.constant 64 : index
        %swap3A_183 = tpu.vector_load %arg9[%swap3A_181, %swap3A_182] {strides = array<i32>} : memref<128x256xf32, #tpu.memory_space<vmem>>, vector<1x16xf32>,
        %swap3A_184 = vector.shape_cast %swap3A_183 : vector<1x16xf32> to vector<16xf32>
        %swap3A_185 = vector.shape_cast %add3A_180 : vector<16xf32> to vector<1x16xf32>
        tpu.vector_store %arg9[%swap3A_181, %swap3A_182], %swap3A_185 {strides = array<i32>} : memref<128x256xf32, #tpu.memory_space<vmem>>, vector<1x16xf32>,
        %get3A_186 = arith.index_cast %add3A_47 : i32 to index
        %get3A_187 = arith.constant 64 : index
        %get3A_188 = tpu.vector_load %arg10[%get3A_186, %get3A_187] {strides = array<i32>} : memref<128x256xf32, #tpu.memory_space<vmem>>, vector<1x16xf32>,
        %get3A_189 = vector.shape_cast %get3A_188 : vector<1x16xf32> to vector<16xf32>
        %max3A_190 = arith.maximumf %get3A_189, %parallel_loop3A_96#12 : vector<16xf32>
        %swap3A_191 = arith.index_cast %add3A_47 : i32 to index
        %swap3A_192 = arith.constant 64 : index
        %swap3A_193 = tpu.vector_load %arg10[%swap3A_191, %swap3A_192] {strides = array<i32>} : memref<128x256xf32, #tpu.memory_space<vmem>>, vector<1x16xf32>,
        %swap3A_194 = vector.shape_cast %swap3A_193 : vector<1x16xf32> to vector<16xf32>
        %swap3A_195 = vector.shape_cast %max3A_190 : vector<16xf32> to vector<1x16xf32>
        tpu.vector_store %arg10[%swap3A_191, %swap3A_192], %swap3A_195 {strides = array<i32>} : memref<128x256xf32, #tpu.memory_space<vmem>>, vector<1x16xf32>,
        %get3A_196 = arith.index_cast %add3A_47 : i32 to index
        %get3A_197 = arith.constant 80 : index
        %get3A_198 = tpu.vector_load %arg9[%get3A_196, %get3A_197] {strides = array<i32>} : memref<128x256xf32, #tpu.memory_space<vmem>>, vector<1x16xf32>,
        %get3A_199 = vector.shape_cast %get3A_198 : vector<1x16xf32> to vector<16xf32>
        %add3A_200 = arith.addf %get3A_199, %parallel_loop3A_96#5 : vector<16xf32>
        %swap3A_201 = arith.index_cast %add3A_47 : i32 to index
        %swap3A_202 = arith.constant 80 : index
        %swap3A_203 = tpu.vector_load %arg9[%swap3A_201, %swap3A_202] {strides = array<i32>} : memref<128x256xf32, #tpu.memory_space<vmem>>, vector<1x16xf32>,
        %swap3A_204 = vector.shape_cast %swap3A_203 : vector<1x16xf32> to vector<16xf32>
        %swap3A_205 = vector.shape_cast %add3A_200 : vector<16xf32> to vector<1x16xf32>
        tpu.vector_store %arg9[%swap3A_201, %swap3A_202], %swap3A_205 {strides = array<i32>} : memref<128x256xf32, #tpu.memory_space<vmem>>, vector<1x16xf32>,
        %get3A_206 = arith.index_cast %add3A_47 : i32 to index
        %get3A_207 = arith.constant 80 : index
        %get3A_208 = tpu.vector_load %arg10[%get3A_206, %get3A_207] {strides = array<i32>} : memref<128x256xf32, #tpu.memory_space<vmem>>, vector<1x16xf32>,
        %get3A_209 = vector.shape_cast %get3A_208 : vector<1x16xf32> to vector<16xf32>
        %max3A_210 = arith.maximumf %get3A_209, %parallel_loop3A_96#13 : vector<16xf32>
        %swap3A_211 = arith.index_cast %add3A_47 : i32 to index
        %swap3A_212 = arith.constant 80 : index
        %swap3A_213 = tpu.vector_load %arg10[%swap3A_211, %swap3A_212] {strides = array<i32>} : memref<128x256xf32, #tpu.memory_space<vmem>>, vector<1x16xf32>,
        %swap3A_214 = vector.shape_cast %swap3A_213 : vector<1x16xf32> to vector<16xf32>
        %swap3A_215 = vector.shape_cast %max3A_210 : vector<16xf32> to vector<1x16xf32>
        tpu.vector_store %arg10[%swap3A_211, %swap3A_212], %swap3A_215 {strides = array<i32>} : memref<128x256xf32, #tpu.memory_space<vmem>>, vector<1x16xf32>,
        %get3A_216 = arith.index_cast %add3A_47 : i32 to index
        %get3A_217 = arith.constant 96 : index
        %get3A_218 = tpu.vector_load %arg9[%get3A_216, %get3A_217] {strides = array<i32>} : memref<128x256xf32, #tpu.memory_space<vmem>>, vector<1x16xf32>,
        %get3A_219 = vector.shape_cast %get3A_218 : vector<1x16xf32> to vector<16xf32>
        %add3A_220 = arith.addf %get3A_219, %parallel_loop3A_96#6 : vector<16xf32>
        %swap3A_221 = arith.index_cast %add3A_47 : i32 to index
        %swap3A_222 = arith.constant 96 : index
        %swap3A_223 = tpu.vector_load %arg9[%swap3A_221, %swap3A_222] {strides = array<i32>} : memref<128x256xf32, #tpu.memory_space<vmem>>, vector<1x16xf32>,
        %swap3A_224 = vector.shape_cast %swap3A_223 : vector<1x16xf32> to vector<16xf32>
        %swap3A_225 = vector.shape_cast %add3A_220 : vector<16xf32> to vector<1x16xf32>
        tpu.vector_store %arg9[%swap3A_221, %swap3A_222], %swap3A_225 {strides = array<i32>} : memref<128x256xf32, #tpu.memory_space<vmem>>, vector<1x16xf32>,
        %get3A_226 = arith.index_cast %add3A_47 : i32 to index
        %get3A_227 = arith.constant 96 : index
        %get3A_228 = tpu.vector_load %arg10[%get3A_226, %get3A_227] {strides = array<i32>} : memref<128x256xf32, #tpu.memory_space<vmem>>, vector<1x16xf32>,
        %get3A_229 = vector.shape_cast %get3A_228 : vector<1x16xf32> to vector<16xf32>
        %max3A_230 = arith.maximumf %get3A_229, %parallel_loop3A_96#14 : vector<16xf32>
        %swap3A_231 = arith.index_cast %add3A_47 : i32 to index
        %swap3A_232 = arith.constant 96 : index
        %swap3A_233 = tpu.vector_load %arg10[%swap3A_231, %swap3A_232] {strides = array<i32>} : memref<128x256xf32, #tpu.memory_space<vmem>>, vector<1x16xf32>,
        %swap3A_234 = vector.shape_cast %swap3A_233 : vector<1x16xf32> to vector<16xf32>
        %swap3A_235 = vector.shape_cast %max3A_230 : vector<16xf32> to vector<1x16xf32>
        tpu.vector_store %arg10[%swap3A_231, %swap3A_232], %swap3A_235 {strides = array<i32>} : memref<128x256xf32, #tpu.memory_space<vmem>>, vector<1x16xf32>,
        %get3A_236 = arith.index_cast %add3A_47 : i32 to index
        %get3A_237 = arith.constant 112 : index
        %get3A_238 = tpu.vector_load %arg9[%get3A_236, %get3A_237] {strides = array<i32>} : memref<128x256xf32, #tpu.memory_space<vmem>>, vector<1x16xf32>,
        %get3A_239 = vector.shape_cast %get3A_238 : vector<1x16xf32> to vector<16xf32>
        %add3A_240 = arith.addf %get3A_239, %parallel_loop3A_96#7 : vector<16xf32>
        %swap3A_241 = arith.index_cast %add3A_47 : i32 to index
        %swap3A_242 = arith.constant 112 : index
        %swap3A_243 = tpu.vector_load %arg9[%swap3A_241, %swap3A_242] {strides = array<i32>} : memref<128x256xf32, #tpu.memory_space<vmem>>, vector<1x16xf32>,
        %swap3A_244 = vector.shape_cast %swap3A_243 : vector<1x16xf32> to vector<16xf32>
        %swap3A_245 = vector.shape_cast %add3A_240 : vector<16xf32> to vector<1x16xf32>
        tpu.vector_store %arg9[%swap3A_241, %swap3A_242], %swap3A_245 {strides = array<i32>} : memref<128x256xf32, #tpu.memory_space<vmem>>, vector<1x16xf32>,
        %get3A_246 = arith.index_cast %add3A_47 : i32 to index
        %get3A_247 = arith.constant 112 : index
        %get3A_248 = tpu.vector_load %arg10[%get3A_246, %get3A_247] {strides = array<i32>} : memref<128x256xf32, #tpu.memory_space<vmem>>, vector<1x16xf32>,
        %get3A_249 = vector.shape_cast %get3A_248 : vector<1x16xf32> to vector<16xf32>
        %max3A_250 = arith.maximumf %get3A_249, %parallel_loop3A_96#15 : vector<16xf32>
        %swap3A_251 = arith.index_cast %add3A_47 : i32 to index
        %swap3A_252 = arith.constant 112 : index
        %swap3A_253 = tpu.vector_load %arg10[%swap3A_251, %swap3A_252] {strides = array<i32>} : memref<128x256xf32, #tpu.memory_space<vmem>>, vector<1x16xf32>,
        %swap3A_254 = vector.shape_cast %swap3A_253 : vector<1x16xf32> to vector<16xf32>
        %swap3A_255 = vector.shape_cast %max3A_250 : vector<16xf32> to vector<1x16xf32>
        tpu.vector_store %arg10[%swap3A_251, %swap3A_252], %swap3A_255 {strides = array<i32>} : memref<128x256xf32, #tpu.memory_space<vmem>>, vector<1x16xf32>,
        %broadcast_in_dim3A_256 = arith.constant 0.000000e+00 : f32
        %broadcast_in_dim3A_257 = vector.broadcast %broadcast_in_dim3A_256 : f32 to vector<16xf32>
        %broadcast_in_dim3A_258 = arith.constant 0.000000e+00 : f32
        %broadcast_in_dim3A_259 = vector.broadcast %broadcast_in_dim3A_258 : f32 to vector<16xf32>
        %broadcast_in_dim3A_260 = arith.constant 0.000000e+00 : f32
        %broadcast_in_dim3A_261 = vector.broadcast %broadcast_in_dim3A_260 : f32 to vector<16xf32>
        %broadcast_in_dim3A_262 = arith.constant 0.000000e+00 : f32
        %broadcast_in_dim3A_263 = vector.broadcast %broadcast_in_dim3A_262 : f32 to vector<16xf32>
        %broadcast_in_dim3A_264 = arith.constant 0.000000e+00 : f32
        %broadcast_in_dim3A_265 = vector.broadcast %broadcast_in_dim3A_264 : f32 to vector<16xf32>
        %broadcast_in_dim3A_266 = arith.constant 0.000000e+00 : f32
        %broadcast_in_dim3A_267 = vector.broadcast %broadcast_in_dim3A_266 : f32 to vector<16xf32>
        %broadcast_in_dim3A_268 = arith.constant 0.000000e+00 : f32
        %broadcast_in_dim3A_269 = vector.broadcast %broadcast_in_dim3A_268 : f32 to vector<16xf32>
        %broadcast_in_dim3A_270 = arith.constant 0.000000e+00 : f32
        %broadcast_in_dim3A_271 = vector.broadcast %broadcast_in_dim3A_270 : f32 to vector<16xf32>
        %broadcast_in_dim3A_272 = arith.constant 0xFF800000 : f32
        %broadcast_in_dim3A_273 = vector.broadcast %broadcast_in_dim3A_272 : f32 to vector<16xf32>
        %broadcast_in_dim3A_274 = arith.constant 0xFF800000 : f32
        %broadcast_in_dim3A_275 = vector.broadcast %broadcast_in_dim3A_274 : f32 to vector<16xf32>
        %broadcast_in_dim3A_276 = arith.constant 0xFF800000 : f32
        %broadcast_in_dim3A_277 = vector.broadcast %broadcast_in_dim3A_276 : f32 to vector<16xf32>
        %broadcast_in_dim3A_278 = arith.constant 0xFF800000 : f32
        %broadcast_in_dim3A_279 = vector.broadcast %broadcast_in_dim3A_278 : f32 to vector<16xf32>
        %broadcast_in_dim3A_280 = arith.constant 0xFF800000 : f32
        %broadcast_in_dim3A_281 = vector.broadcast %broadcast_in_dim3A_280 : f32 to vector<16xf32>
        %broadcast_in_dim3A_282 = arith.constant 0xFF800000 : f32
        %broadcast_in_dim3A_283 = vector.broadcast %broadcast_in_dim3A_282 : f32 to vector<16xf32>
        %broadcast_in_dim3A_284 = arith.constant 0xFF800000 : f32
        %broadcast_in_dim3A_285 = vector.broadcast %broadcast_in_dim3A_284 : f32 to vector<16xf32>
        %broadcast_in_dim3A_286 = arith.constant 0xFF800000 : f32
        %broadcast_in_dim3A_287 = vector.broadcast %broadcast_in_dim3A_286 : f32 to vector<16xf32>
        %parallel_loop3A_288 = arith.constant 1 : i32
        %parallel_loop3A_289:16 = scf.for %parallel_loop3A_450 = %max3A_54 to %max3A_64 step %parallel_loop3A_288 iter_args(%parallel_loop3A_451 = %broadcast_in_dim3A_257, %parallel_loop3A_452 = %broadcast_in_dim3A_259, %parallel_loop3A_453 = %broadcast_in_dim3A_261, %parallel_loop3A_454 = %broadcast_in_dim3A_263, %parallel_loop3A_455 = %broadcast_in_dim3A_265, %parallel_loop3A_456 = %broadcast_in_dim3A_267, %parallel_loop3A_457 = %broadcast_in_dim3A_269, %parallel_loop3A_458 = %broadcast_in_dim3A_271, %parallel_loop3A_459 = %broadcast_in_dim3A_273, %parallel_loop3A_460 = %broadcast_in_dim3A_275, %parallel_loop3A_461 = %broadcast_in_dim3A_277, %parallel_loop3A_462 = %broadcast_in_dim3A_279, %parallel_loop3A_463 = %broadcast_in_dim3A_281, %parallel_loop3A_464 = %broadcast_in_dim3A_283, %parallel_loop3A_465 = %broadcast_in_dim3A_285, %parallel_loop3A_466 = %broadcast_in_dim3A_287) -> (vector<16xf32>, vector<16xf32>, vector<16xf32>, vector<16xf32>, vector<16xf32>, vector<16xf32>, vector<16xf32>, vector<16xf32>, vector<16xf32>, vector<16xf32>, vector<16xf32>, vector<16xf32>, vector<16xf32>, vector<16xf32>, vector<16xf32>, vector<16xf32>)  : i32 {
          %parallel_loop3A_467 = arith.index_cast %parallel_loop3A_450 : i32 to index
          %parallel_loop3A_468 = arith.constant 128 : index
          %parallel_loop3A_469 = tpu.vector_load %arg11[%parallel_loop3A_467, %parallel_loop3A_468] {strides = array<i32>} : memref<112x256xf32, #tpu.memory_space<vmem>>, vector<1x16xf32>,
          %parallel_loop3A_470 = vector.shape_cast %parallel_loop3A_469 : vector<1x16xf32> to vector<16xf32>
          %parallel_loop3A_471 = arith.addf %parallel_loop3A_451, %parallel_loop3A_470 : vector<16xf32>
          %parallel_loop3A_472 = arith.maximumf %parallel_loop3A_459, %parallel_loop3A_470 : vector<16xf32>
          %parallel_loop3A_473 = arith.index_cast %parallel_loop3A_450 : i32 to index
          %parallel_loop3A_474 = arith.constant 144 : index
          %parallel_loop3A_475 = tpu.vector_load %arg11[%parallel_loop3A_473, %parallel_loop3A_474] {strides = array<i32>} : memref<112x256xf32, #tpu.memory_space<vmem>>, vector<1x16xf32>,
          %parallel_loop3A_476 = vector.shape_cast %parallel_loop3A_475 : vector<1x16xf32> to vector<16xf32>
          %parallel_loop3A_477 = arith.addf %parallel_loop3A_452, %parallel_loop3A_476 : vector<16xf32>
          %parallel_loop3A_478 = arith.maximumf %parallel_loop3A_460, %parallel_loop3A_476 : vector<16xf32>
          %parallel_loop3A_479 = arith.index_cast %parallel_loop3A_450 : i32 to index
          %parallel_loop3A_480 = arith.constant 160 : index
          %parallel_loop3A_481 = tpu.vector_load %arg11[%parallel_loop3A_479, %parallel_loop3A_480] {strides = array<i32>} : memref<112x256xf32, #tpu.memory_space<vmem>>, vector<1x16xf32>,
          %parallel_loop3A_482 = vector.shape_cast %parallel_loop3A_481 : vector<1x16xf32> to vector<16xf32>
          %parallel_loop3A_483 = arith.addf %parallel_loop3A_453, %parallel_loop3A_482 : vector<16xf32>
          %parallel_loop3A_484 = arith.maximumf %parallel_loop3A_461, %parallel_loop3A_482 : vector<16xf32>
          %parallel_loop3A_485 = arith.index_cast %parallel_loop3A_450 : i32 to index
          %parallel_loop3A_486 = arith.constant 176 : index
          %parallel_loop3A_487 = tpu.vector_load %arg11[%parallel_loop3A_485, %parallel_loop3A_486] {strides = array<i32>} : memref<112x256xf32, #tpu.memory_space<vmem>>, vector<1x16xf32>,
          %parallel_loop3A_488 = vector.shape_cast %parallel_loop3A_487 : vector<1x16xf32> to vector<16xf32>
          %parallel_loop3A_489 = arith.addf %parallel_loop3A_454, %parallel_loop3A_488 : vector<16xf32>
          %parallel_loop3A_490 = arith.maximumf %parallel_loop3A_462, %parallel_loop3A_488 : vector<16xf32>
          %parallel_loop3A_491 = arith.index_cast %parallel_loop3A_450 : i32 to index
          %parallel_loop3A_492 = arith.constant 192 : index
          %parallel_loop3A_493 = tpu.vector_load %arg11[%parallel_loop3A_491, %parallel_loop3A_492] {strides = array<i32>} : memref<112x256xf32, #tpu.memory_space<vmem>>, vector<1x16xf32>,
          %parallel_loop3A_494 = vector.shape_cast %parallel_loop3A_493 : vector<1x16xf32> to vector<16xf32>
          %parallel_loop3A_495 = arith.addf %parallel_loop3A_455, %parallel_loop3A_494 : vector<16xf32>
          %parallel_loop3A_496 = arith.maximumf %parallel_loop3A_463, %parallel_loop3A_494 : vector<16xf32>
          %parallel_loop3A_497 = arith.index_cast %parallel_loop3A_450 : i32 to index
          %parallel_loop3A_498 = arith.constant 208 : index
          %parallel_loop3A_499 = tpu.vector_load %arg11[%parallel_loop3A_497, %parallel_loop3A_498] {strides = array<i32>} : memref<112x256xf32, #tpu.memory_space<vmem>>, vector<1x16xf32>,
          %parallel_loop3A_500 = vector.shape_cast %parallel_loop3A_499 : vector<1x16xf32> to vector<16xf32>
          %parallel_loop3A_501 = arith.addf %parallel_loop3A_456, %parallel_loop3A_500 : vector<16xf32>
          %parallel_loop3A_502 = arith.maximumf %parallel_loop3A_464, %parallel_loop3A_500 : vector<16xf32>
          %parallel_loop3A_503 = arith.index_cast %parallel_loop3A_450 : i32 to index
          %parallel_loop3A_504 = arith.constant 224 : index
          %parallel_loop3A_505 = tpu.vector_load %arg11[%parallel_loop3A_503, %parallel_loop3A_504] {strides = array<i32>} : memref<112x256xf32, #tpu.memory_space<vmem>>, vector<1x16xf32>,
          %parallel_loop3A_506 = vector.shape_cast %parallel_loop3A_505 : vector<1x16xf32> to vector<16xf32>
          %parallel_loop3A_507 = arith.addf %parallel_loop3A_457, %parallel_loop3A_506 : vector<16xf32>
          %parallel_loop3A_508 = arith.maximumf %parallel_loop3A_465, %parallel_loop3A_506 : vector<16xf32>
          %parallel_loop3A_509 = arith.index_cast %parallel_loop3A_450 : i32 to index
          %parallel_loop3A_510 = arith.constant 240 : index
          %parallel_loop3A_511 = tpu.vector_load %arg11[%parallel_loop3A_509, %parallel_loop3A_510] {strides = array<i32>} : memref<112x256xf32, #tpu.memory_space<vmem>>, vector<1x16xf32>,
          %parallel_loop3A_512 = vector.shape_cast %parallel_loop3A_511 : vector<1x16xf32> to vector<16xf32>
          %parallel_loop3A_513 = arith.addf %parallel_loop3A_458, %parallel_loop3A_512 : vector<16xf32>
          %parallel_loop3A_514 = arith.maximumf %parallel_loop3A_466, %parallel_loop3A_512 : vector<16xf32>
          scf.yield %parallel_loop3A_471, %parallel_loop3A_477, %parallel_loop3A_483, %parallel_loop3A_489, %parallel_loop3A_495, %parallel_loop3A_501, %parallel_loop3A_507, %parallel_loop3A_513, %parallel_loop3A_472, %parallel_loop3A_478, %parallel_loop3A_484, %parallel_loop3A_490, %parallel_loop3A_496, %parallel_loop3A_502, %parallel_loop3A_508, %parallel_loop3A_514 : vector<16xf32>, vector<16xf32>, vector<16xf32>, vector<16xf32>, vector<16xf32>, vector<16xf32>, vector<16xf32>, vector<16xf32>, vector<16xf32>, vector<16xf32>, vector<16xf32>, vector<16xf32>, vector<16xf32>, vector<16xf32>, vector<16xf32>, vector<16xf32>
        } {sc.loop_unroll_factor = 4 : i64, sc.parallel_access}
        %get3A_290 = arith.index_cast %add3A_47 : i32 to index
        %get3A_291 = arith.constant 128 : index
        %get3A_292 = tpu.vector_load %arg9[%get3A_290, %get3A_291] {strides = array<i32>} : memref<128x256xf32, #tpu.memory_space<vmem>>, vector<1x16xf32>,
        %get3A_293 = vector.shape_cast %get3A_292 : vector<1x16xf32> to vector<16xf32>
        %add3A_294 = arith.addf %get3A_293, %parallel_loop3A_289#0 : vector<16xf32>
        %swap3A_295 = arith.index_cast %add3A_47 : i32 to index
        %swap3A_296 = arith.constant 128 : index
        %swap3A_297 = tpu.vector_load %arg9[%swap3A_295, %swap3A_296] {strides = array<i32>} : memref<128x256xf32, #tpu.memory_space<vmem>>, vector<1x16xf32>,
        %swap3A_298 = vector.shape_cast %swap3A_297 : vector<1x16xf32> to vector<16xf32>
        %swap3A_299 = vector.shape_cast %add3A_294 : vector<16xf32> to vector<1x16xf32>
        tpu.vector_store %arg9[%swap3A_295, %swap3A_296], %swap3A_299 {strides = array<i32>} : memref<128x256xf32, #tpu.memory_space<vmem>>, vector<1x16xf32>,
        %get3A_300 = arith.index_cast %add3A_47 : i32 to index
        %get3A_301 = arith.constant 128 : index
        %get3A_302 = tpu.vector_load %arg10[%get3A_300, %get3A_301] {strides = array<i32>} : memref<128x256xf32, #tpu.memory_space<vmem>>, vector<1x16xf32>,
        %get3A_303 = vector.shape_cast %get3A_302 : vector<1x16xf32> to vector<16xf32>
        %max3A_304 = arith.maximumf %get3A_303, %parallel_loop3A_289#8 : vector<16xf32>
        %swap3A_305 = arith.index_cast %add3A_47 : i32 to index
        %swap3A_306 = arith.constant 128 : index
        %swap3A_307 = tpu.vector_load %arg10[%swap3A_305, %swap3A_306] {strides = array<i32>} : memref<128x256xf32, #tpu.memory_space<vmem>>, vector<1x16xf32>,
        %swap3A_308 = vector.shape_cast %swap3A_307 : vector<1x16xf32> to vector<16xf32>
        %swap3A_309 = vector.shape_cast %max3A_304 : vector<16xf32> to vector<1x16xf32>
        tpu.vector_store %arg10[%swap3A_305, %swap3A_306], %swap3A_309 {strides = array<i32>} : memref<128x256xf32, #tpu.memory_space<vmem>>, vector<1x16xf32>,
        %get3A_310 = arith.index_cast %add3A_47 : i32 to index
        %get3A_311 = arith.constant 144 : index
        %get3A_312 = tpu.vector_load %arg9[%get3A_310, %get3A_311] {strides = array<i32>} : memref<128x256xf32, #tpu.memory_space<vmem>>, vector<1x16xf32>,
        %get3A_313 = vector.shape_cast %get3A_312 : vector<1x16xf32> to vector<16xf32>
        %add3A_314 = arith.addf %get3A_313, %parallel_loop3A_289#1 : vector<16xf32>
        %swap3A_315 = arith.index_cast %add3A_47 : i32 to index
        %swap3A_316 = arith.constant 144 : index
        %swap3A_317 = tpu.vector_load %arg9[%swap3A_315, %swap3A_316] {strides = array<i32>} : memref<128x256xf32, #tpu.memory_space<vmem>>, vector<1x16xf32>,
        %swap3A_318 = vector.shape_cast %swap3A_317 : vector<1x16xf32> to vector<16xf32>
        %swap3A_319 = vector.shape_cast %add3A_314 : vector<16xf32> to vector<1x16xf32>
        tpu.vector_store %arg9[%swap3A_315, %swap3A_316], %swap3A_319 {strides = array<i32>} : memref<128x256xf32, #tpu.memory_space<vmem>>, vector<1x16xf32>,
        %get3A_320 = arith.index_cast %add3A_47 : i32 to index
        %get3A_321 = arith.constant 144 : index
        %get3A_322 = tpu.vector_load %arg10[%get3A_320, %get3A_321] {strides = array<i32>} : memref<128x256xf32, #tpu.memory_space<vmem>>, vector<1x16xf32>,
        %get3A_323 = vector.shape_cast %get3A_322 : vector<1x16xf32> to vector<16xf32>
        %max3A_324 = arith.maximumf %get3A_323, %parallel_loop3A_289#9 : vector<16xf32>
        %swap3A_325 = arith.index_cast %add3A_47 : i32 to index
        %swap3A_326 = arith.constant 144 : index
        %swap3A_327 = tpu.vector_load %arg10[%swap3A_325, %swap3A_326] {strides = array<i32>} : memref<128x256xf32, #tpu.memory_space<vmem>>, vector<1x16xf32>,
        %swap3A_328 = vector.shape_cast %swap3A_327 : vector<1x16xf32> to vector<16xf32>
        %swap3A_329 = vector.shape_cast %max3A_324 : vector<16xf32> to vector<1x16xf32>
        tpu.vector_store %arg10[%swap3A_325, %swap3A_326], %swap3A_329 {strides = array<i32>} : memref<128x256xf32, #tpu.memory_space<vmem>>, vector<1x16xf32>,
        %get3A_330 = arith.index_cast %add3A_47 : i32 to index
        %get3A_331 = arith.constant 160 : index
        %get3A_332 = tpu.vector_load %arg9[%get3A_330, %get3A_331] {strides = array<i32>} : memref<128x256xf32, #tpu.memory_space<vmem>>, vector<1x16xf32>,
        %get3A_333 = vector.shape_cast %get3A_332 : vector<1x16xf32> to vector<16xf32>
        %add3A_334 = arith.addf %get3A_333, %parallel_loop3A_289#2 : vector<16xf32>
        %swap3A_335 = arith.index_cast %add3A_47 : i32 to index
        %swap3A_336 = arith.constant 160 : index
        %swap3A_337 = tpu.vector_load %arg9[%swap3A_335, %swap3A_336] {strides = array<i32>} : memref<128x256xf32, #tpu.memory_space<vmem>>, vector<1x16xf32>,
        %swap3A_338 = vector.shape_cast %swap3A_337 : vector<1x16xf32> to vector<16xf32>
        %swap3A_339 = vector.shape_cast %add3A_334 : vector<16xf32> to vector<1x16xf32>
        tpu.vector_store %arg9[%swap3A_335, %swap3A_336], %swap3A_339 {strides = array<i32>} : memref<128x256xf32, #tpu.memory_space<vmem>>, vector<1x16xf32>,
        %get3A_340 = arith.index_cast %add3A_47 : i32 to index
        %get3A_341 = arith.constant 160 : index
        %get3A_342 = tpu.vector_load %arg10[%get3A_340, %get3A_341] {strides = array<i32>} : memref<128x256xf32, #tpu.memory_space<vmem>>, vector<1x16xf32>,
        %get3A_343 = vector.shape_cast %get3A_342 : vector<1x16xf32> to vector<16xf32>
        %max3A_344 = arith.maximumf %get3A_343, %parallel_loop3A_289#10 : vector<16xf32>
        %swap3A_345 = arith.index_cast %add3A_47 : i32 to index
        %swap3A_346 = arith.constant 160 : index
        %swap3A_347 = tpu.vector_load %arg10[%swap3A_345, %swap3A_346] {strides = array<i32>} : memref<128x256xf32, #tpu.memory_space<vmem>>, vector<1x16xf32>,
        %swap3A_348 = vector.shape_cast %swap3A_347 : vector<1x16xf32> to vector<16xf32>
        %swap3A_349 = vector.shape_cast %max3A_344 : vector<16xf32> to vector<1x16xf32>
        tpu.vector_store %arg10[%swap3A_345, %swap3A_346], %swap3A_349 {strides = array<i32>} : memref<128x256xf32, #tpu.memory_space<vmem>>, vector<1x16xf32>,
        %get3A_350 = arith.index_cast %add3A_47 : i32 to index
        %get3A_351 = arith.constant 176 : index
        %get3A_352 = tpu.vector_load %arg9[%get3A_350, %get3A_351] {strides = array<i32>} : memref<128x256xf32, #tpu.memory_space<vmem>>, vector<1x16xf32>,
        %get3A_353 = vector.shape_cast %get3A_352 : vector<1x16xf32> to vector<16xf32>
        %add3A_354 = arith.addf %get3A_353, %parallel_loop3A_289#3 : vector<16xf32>
        %swap3A_355 = arith.index_cast %add3A_47 : i32 to index
        %swap3A_356 = arith.constant 176 : index
        %swap3A_357 = tpu.vector_load %arg9[%swap3A_355, %swap3A_356] {strides = array<i32>} : memref<128x256xf32, #tpu.memory_space<vmem>>, vector<1x16xf32>,
        %swap3A_358 = vector.shape_cast %swap3A_357 : vector<1x16xf32> to vector<16xf32>
        %swap3A_359 = vector.shape_cast %add3A_354 : vector<16xf32> to vector<1x16xf32>
        tpu.vector_store %arg9[%swap3A_355, %swap3A_356], %swap3A_359 {strides = array<i32>} : memref<128x256xf32, #tpu.memory_space<vmem>>, vector<1x16xf32>,
        %get3A_360 = arith.index_cast %add3A_47 : i32 to index
        %get3A_361 = arith.constant 176 : index
        %get3A_362 = tpu.vector_load %arg10[%get3A_360, %get3A_361] {strides = array<i32>} : memref<128x256xf32, #tpu.memory_space<vmem>>, vector<1x16xf32>,
        %get3A_363 = vector.shape_cast %get3A_362 : vector<1x16xf32> to vector<16xf32>
        %max3A_364 = arith.maximumf %get3A_363, %parallel_loop3A_289#11 : vector<16xf32>
        %swap3A_365 = arith.index_cast %add3A_47 : i32 to index
        %swap3A_366 = arith.constant 176 : index
        %swap3A_367 = tpu.vector_load %arg10[%swap3A_365, %swap3A_366] {strides = array<i32>} : memref<128x256xf32, #tpu.memory_space<vmem>>, vector<1x16xf32>,
        %swap3A_368 = vector.shape_cast %swap3A_367 : vector<1x16xf32> to vector<16xf32>
        %swap3A_369 = vector.shape_cast %max3A_364 : vector<16xf32> to vector<1x16xf32>
        tpu.vector_store %arg10[%swap3A_365, %swap3A_366], %swap3A_369 {strides = array<i32>} : memref<128x256xf32, #tpu.memory_space<vmem>>, vector<1x16xf32>,
        %get3A_370 = arith.index_cast %add3A_47 : i32 to index
        %get3A_371 = arith.constant 192 : index
        %get3A_372 = tpu.vector_load %arg9[%get3A_370, %get3A_371] {strides = array<i32>} : memref<128x256xf32, #tpu.memory_space<vmem>>, vector<1x16xf32>,
        %get3A_373 = vector.shape_cast %get3A_372 : vector<1x16xf32> to vector<16xf32>
        %add3A_374 = arith.addf %get3A_373, %parallel_loop3A_289#4 : vector<16xf32>
        %swap3A_375 = arith.index_cast %add3A_47 : i32 to index
        %swap3A_376 = arith.constant 192 : index
        %swap3A_377 = tpu.vector_load %arg9[%swap3A_375, %swap3A_376] {strides = array<i32>} : memref<128x256xf32, #tpu.memory_space<vmem>>, vector<1x16xf32>,
        %swap3A_378 = vector.shape_cast %swap3A_377 : vector<1x16xf32> to vector<16xf32>
        %swap3A_379 = vector.shape_cast %add3A_374 : vector<16xf32> to vector<1x16xf32>
        tpu.vector_store %arg9[%swap3A_375, %swap3A_376], %swap3A_379 {strides = array<i32>} : memref<128x256xf32, #tpu.memory_space<vmem>>, vector<1x16xf32>,
        %get3A_380 = arith.index_cast %add3A_47 : i32 to index
        %get3A_381 = arith.constant 192 : index
        %get3A_382 = tpu.vector_load %arg10[%get3A_380, %get3A_381] {strides = array<i32>} : memref<128x256xf32, #tpu.memory_space<vmem>>, vector<1x16xf32>,
        %get3A_383 = vector.shape_cast %get3A_382 : vector<1x16xf32> to vector<16xf32>
        %max3A_384 = arith.maximumf %get3A_383, %parallel_loop3A_289#12 : vector<16xf32>
        %swap3A_385 = arith.index_cast %add3A_47 : i32 to index
        %swap3A_386 = arith.constant 192 : index
        %swap3A_387 = tpu.vector_load %arg10[%swap3A_385, %swap3A_386] {strides = array<i32>} : memref<128x256xf32, #tpu.memory_space<vmem>>, vector<1x16xf32>,
        %swap3A_388 = vector.shape_cast %swap3A_387 : vector<1x16xf32> to vector<16xf32>
        %swap3A_389 = vector.shape_cast %max3A_384 : vector<16xf32> to vector<1x16xf32>
        tpu.vector_store %arg10[%swap3A_385, %swap3A_386], %swap3A_389 {strides = array<i32>} : memref<128x256xf32, #tpu.memory_space<vmem>>, vector<1x16xf32>,
        %get3A_390 = arith.index_cast %add3A_47 : i32 to index
        %get3A_391 = arith.constant 208 : index
        %get3A_392 = tpu.vector_load %arg9[%get3A_390, %get3A_391] {strides = array<i32>} : memref<128x256xf32, #tpu.memory_space<vmem>>, vector<1x16xf32>,
        %get3A_393 = vector.shape_cast %get3A_392 : vector<1x16xf32> to vector<16xf32>
        %add3A_394 = arith.addf %get3A_393, %parallel_loop3A_289#5 : vector<16xf32>
        %swap3A_395 = arith.index_cast %add3A_47 : i32 to index
        %swap3A_396 = arith.constant 208 : index
        %swap3A_397 = tpu.vector_load %arg9[%swap3A_395, %swap3A_396] {strides = array<i32>} : memref<128x256xf32, #tpu.memory_space<vmem>>, vector<1x16xf32>,
        %swap3A_398 = vector.shape_cast %swap3A_397 : vector<1x16xf32> to vector<16xf32>
        %swap3A_399 = vector.shape_cast %add3A_394 : vector<16xf32> to vector<1x16xf32>
        tpu.vector_store %arg9[%swap3A_395, %swap3A_396], %swap3A_399 {strides = array<i32>} : memref<128x256xf32, #tpu.memory_space<vmem>>, vector<1x16xf32>,
        %get3A_400 = arith.index_cast %add3A_47 : i32 to index
        %get3A_401 = arith.constant 208 : index
        %get3A_402 = tpu.vector_load %arg10[%get3A_400, %get3A_401] {strides = array<i32>} : memref<128x256xf32, #tpu.memory_space<vmem>>, vector<1x16xf32>,
        %get3A_403 = vector.shape_cast %get3A_402 : vector<1x16xf32> to vector<16xf32>
        %max3A_404 = arith.maximumf %get3A_403, %parallel_loop3A_289#13 : vector<16xf32>
        %swap3A_405 = arith.index_cast %add3A_47 : i32 to index
        %swap3A_406 = arith.constant 208 : index
        %swap3A_407 = tpu.vector_load %arg10[%swap3A_405, %swap3A_406] {strides = array<i32>} : memref<128x256xf32, #tpu.memory_space<vmem>>, vector<1x16xf32>,
        %swap3A_408 = vector.shape_cast %swap3A_407 : vector<1x16xf32> to vector<16xf32>
        %swap3A_409 = vector.shape_cast %max3A_404 : vector<16xf32> to vector<1x16xf32>
        tpu.vector_store %arg10[%swap3A_405, %swap3A_406], %swap3A_409 {strides = array<i32>} : memref<128x256xf32, #tpu.memory_space<vmem>>, vector<1x16xf32>,
        %get3A_410 = arith.index_cast %add3A_47 : i32 to index
        %get3A_411 = arith.constant 224 : index
        %get3A_412 = tpu.vector_load %arg9[%get3A_410, %get3A_411] {strides = array<i32>} : memref<128x256xf32, #tpu.memory_space<vmem>>, vector<1x16xf32>,
        %get3A_413 = vector.shape_cast %get3A_412 : vector<1x16xf32> to vector<16xf32>
        %add3A_414 = arith.addf %get3A_413, %parallel_loop3A_289#6 : vector<16xf32>
        %swap3A_415 = arith.index_cast %add3A_47 : i32 to index
        %swap3A_416 = arith.constant 224 : index
        %swap3A_417 = tpu.vector_load %arg9[%swap3A_415, %swap3A_416] {strides = array<i32>} : memref<128x256xf32, #tpu.memory_space<vmem>>, vector<1x16xf32>,
        %swap3A_418 = vector.shape_cast %swap3A_417 : vector<1x16xf32> to vector<16xf32>
        %swap3A_419 = vector.shape_cast %add3A_414 : vector<16xf32> to vector<1x16xf32>
        tpu.vector_store %arg9[%swap3A_415, %swap3A_416], %swap3A_419 {strides = array<i32>} : memref<128x256xf32, #tpu.memory_space<vmem>>, vector<1x16xf32>,
        %get3A_420 = arith.index_cast %add3A_47 : i32 to index
        %get3A_421 = arith.constant 224 : index
        %get3A_422 = tpu.vector_load %arg10[%get3A_420, %get3A_421] {strides = array<i32>} : memref<128x256xf32, #tpu.memory_space<vmem>>, vector<1x16xf32>,
        %get3A_423 = vector.shape_cast %get3A_422 : vector<1x16xf32> to vector<16xf32>
        %max3A_424 = arith.maximumf %get3A_423, %parallel_loop3A_289#14 : vector<16xf32>
        %swap3A_425 = arith.index_cast %add3A_47 : i32 to index
        %swap3A_426 = arith.constant 224 : index
        %swap3A_427 = tpu.vector_load %arg10[%swap3A_425, %swap3A_426] {strides = array<i32>} : memref<128x256xf32, #tpu.memory_space<vmem>>, vector<1x16xf32>,
        %swap3A_428 = vector.shape_cast %swap3A_427 : vector<1x16xf32> to vector<16xf32>
        %swap3A_429 = vector.shape_cast %max3A_424 : vector<16xf32> to vector<1x16xf32>
        tpu.vector_store %arg10[%swap3A_425, %swap3A_426], %swap3A_429 {strides = array<i32>} : memref<128x256xf32, #tpu.memory_space<vmem>>, vector<1x16xf32>,
        %get3A_430 = arith.index_cast %add3A_47 : i32 to index
        %get3A_431 = arith.constant 240 : index
        %get3A_432 = tpu.vector_load %arg9[%get3A_430, %get3A_431] {strides = array<i32>} : memref<128x256xf32, #tpu.memory_space<vmem>>, vector<1x16xf32>,
        %get3A_433 = vector.shape_cast %get3A_432 : vector<1x16xf32> to vector<16xf32>
        %add3A_434 = arith.addf %get3A_433, %parallel_loop3A_289#7 : vector<16xf32>
        %swap3A_435 = arith.index_cast %add3A_47 : i32 to index
        %swap3A_436 = arith.constant 240 : index
        %swap3A_437 = tpu.vector_load %arg9[%swap3A_435, %swap3A_436] {strides = array<i32>} : memref<128x256xf32, #tpu.memory_space<vmem>>, vector<1x16xf32>,
        %swap3A_438 = vector.shape_cast %swap3A_437 : vector<1x16xf32> to vector<16xf32>
        %swap3A_439 = vector.shape_cast %add3A_434 : vector<16xf32> to vector<1x16xf32>
        tpu.vector_store %arg9[%swap3A_435, %swap3A_436], %swap3A_439 {strides = array<i32>} : memref<128x256xf32, #tpu.memory_space<vmem>>, vector<1x16xf32>,
        %get3A_440 = arith.index_cast %add3A_47 : i32 to index
        %get3A_441 = arith.constant 240 : index
        %get3A_442 = tpu.vector_load %arg10[%get3A_440, %get3A_441] {strides = array<i32>} : memref<128x256xf32, #tpu.memory_space<vmem>>, vector<1x16xf32>,
        %get3A_443 = vector.shape_cast %get3A_442 : vector<1x16xf32> to vector<16xf32>
        %max3A_444 = arith.maximumf %get3A_443, %parallel_loop3A_289#15 : vector<16xf32>
        %swap3A_445 = arith.index_cast %add3A_47 : i32 to index
        %swap3A_446 = arith.constant 240 : index
        %swap3A_447 = tpu.vector_load %arg10[%swap3A_445, %swap3A_446] {strides = array<i32>} : memref<128x256xf32, #tpu.memory_space<vmem>>, vector<1x16xf32>,
        %swap3A_448 = vector.shape_cast %swap3A_447 : vector<1x16xf32> to vector<16xf32>
        %swap3A_449 = vector.shape_cast %max3A_444 : vector<16xf32> to vector<1x16xf32>
        tpu.vector_store %arg10[%swap3A_445, %swap3A_446], %swap3A_449 {strides = array<i32>} : memref<128x256xf32, #tpu.memory_space<vmem>>, vector<1x16xf32>,
      }
      %while3A_44 = arith.constant 1 : i32
      scf.for %while3A_45 = %while3A_42 to %while3A_38 step %while3A_44  : i32 {
        %mul3A_46 = arith.muli %while3A_45, %while3A : i32
        %add3A_47 = arith.addi %squeeze3A, %mul3A_46 : i32
        %get3A_48 = arith.index_cast %add3A_47 : i32 to index
        %get3A_49 = tpu.vector_load %arg12[%get3A_48] {strides = array<i32>} : memref<160xi32, #tpu.memory_space<vmem>>, vector<16xi32>,
        %get3A_50 = vector.shape_cast %get3A_49 : vector<16xi32> to vector<16xi32>
        %slice3A_51 = vector.extract_strided_slice %get3A_50 {offsets = [0], sizes = [1], strides = [1]} : vector<16xi32> to vector<1xi32>
        %squeeze3A_52 = vector.extract %slice3A_51[0] : i32 from vector<1xi32>
        %sub3A_53 = arith.subi %squeeze3A_52, %add3A_15 : i32
        %max3A = arith.constant 0 : i32
        %max3A_54 = arith.maxsi %sub3A_53, %max3A : i32
        %add3A_55 = arith.constant 1 : i32
        %add3A_56 = arith.addi %add3A_47, %add3A_55 : i32
        %get3A_57 = arith.index_cast %add3A_56 : i32 to index
        %get3A_58 = tpu.vector_load %arg12[%get3A_57] {strides = array<i32>} : memref<160xi32, #tpu.memory_space<vmem>>, vector<16xi32>,
        %get3A_59 = vector.shape_cast %get3A_58 : vector<16xi32> to vector<16xi32>
        %slice3A_60 = vector.extract_strided_slice %get3A_59 {offsets = [0], sizes = [1], strides = [1]} : vector<16xi32> to vector<1xi32>
        %squeeze3A_61 = vector.extract %slice3A_60[0] : i32 from vector<1xi32>
        %sub3A_62 = arith.subi %squeeze3A_61, %add3A_15 : i32
        %min3A = arith.constant 112 : i32
        %min3A_63 = arith.minsi %sub3A_62, %min3A : i32
        %max3A_64 = arith.maxsi %min3A_63, %max3A_54 : i32
        %broadcast_in_dim3A = arith.constant 0.000000e+00 : f32
        %broadcast_in_dim3A_65 = vector.broadcast %broadcast_in_dim3A : f32 to vector<16xf32>
        %broadcast_in_dim3A_66 = arith.constant 0.000000e+00 : f32
        %broadcast_in_dim3A_67 = vector.broadcast %broadcast_in_dim3A_66 : f32 to vector<16xf32>
        %broadcast_in_dim3A_68 = arith.constant 0.000000e+00 : f32
        %broadcast_in_dim3A_69 = vector.broadcast %broadcast_in_dim3A_68 : f32 to vector<16xf32>
        %broadcast_in_dim3A_70 = arith.constant 0.000000e+00 : f32
        %broadcast_in_dim3A_71 = vector.broadcast %broadcast_in_dim3A_70 : f32 to vector<16xf32>
        %broadcast_in_dim3A_72 = arith.constant 0.000000e+00 : f32
        %broadcast_in_dim3A_73 = vector.broadcast %broadcast_in_dim3A_72 : f32 to vector<16xf32>
        %broadcast_in_dim3A_74 = arith.constant 0.000000e+00 : f32
        %broadcast_in_dim3A_75 = vector.broadcast %broadcast_in_dim3A_74 : f32 to vector<16xf32>
        %broadcast_in_dim3A_76 = arith.constant 0.000000e+00 : f32
        %broadcast_in_dim3A_77 = vector.broadcast %broadcast_in_dim3A_76 : f32 to vector<16xf32>
        %broadcast_in_dim3A_78 = arith.constant 0.000000e+00 : f32
        %broadcast_in_dim3A_79 = vector.broadcast %broadcast_in_dim3A_78 : f32 to vector<16xf32>
        %broadcast_in_dim3A_80 = arith.constant 0xFF800000 : f32
        %broadcast_in_dim3A_81 = vector.broadcast %broadcast_in_dim3A_80 : f32 to vector<16xf32>
        %broadcast_in_dim3A_82 = arith.constant 0xFF800000 : f32
        %broadcast_in_dim3A_83 = vector.broadcast %broadcast_in_dim3A_82 : f32 to vector<16xf32>
        %broadcast_in_dim3A_84 = arith.constant 0xFF800000 : f32
        %broadcast_in_dim3A_85 = vector.broadcast %broadcast_in_dim3A_84 : f32 to vector<16xf32>
        %broadcast_in_dim3A_86 = arith.constant 0xFF800000 : f32
        %broadcast_in_dim3A_87 = vector.broadcast %broadcast_in_dim3A_86 : f32 to vector<16xf32>
        %broadcast_in_dim3A_88 = arith.constant 0xFF800000 : f32
        %broadcast_in_dim3A_89 = vector.broadcast %broadcast_in_dim3A_88 : f32 to vector<16xf32>
        %broadcast_in_dim3A_90 = arith.constant 0xFF800000 : f32
        %broadcast_in_dim3A_91 = vector.broadcast %broadcast_in_dim3A_90 : f32 to vector<16xf32>
        %broadcast_in_dim3A_92 = arith.constant 0xFF800000 : f32
        %broadcast_in_dim3A_93 = vector.broadcast %broadcast_in_dim3A_92 : f32 to vector<16xf32>
        %broadcast_in_dim3A_94 = arith.constant 0xFF800000 : f32
        %broadcast_in_dim3A_95 = vector.broadcast %broadcast_in_dim3A_94 : f32 to vector<16xf32>
        %parallel_loop3A = arith.constant 1 : i32
        %parallel_loop3A_96:16 = scf.for %parallel_loop3A_450 = %max3A_54 to %max3A_64 step %parallel_loop3A iter_args(%parallel_loop3A_451 = %broadcast_in_dim3A_65, %parallel_loop3A_452 = %broadcast_in_dim3A_67, %parallel_loop3A_453 = %broadcast_in_dim3A_69, %parallel_loop3A_454 = %broadcast_in_dim3A_71, %parallel_loop3A_455 = %broadcast_in_dim3A_73, %parallel_loop3A_456 = %broadcast_in_dim3A_75, %parallel_loop3A_457 = %broadcast_in_dim3A_77, %parallel_loop3A_458 = %broadcast_in_dim3A_79, %parallel_loop3A_459 = %broadcast_in_dim3A_81, %parallel_loop3A_460 = %broadcast_in_dim3A_83, %parallel_loop3A_461 = %broadcast_in_dim3A_85, %parallel_loop3A_462 = %broadcast_in_dim3A_87, %parallel_loop3A_463 = %broadcast_in_dim3A_89, %parallel_loop3A_464 = %broadcast_in_dim3A_91, %parallel_loop3A_465 = %broadcast_in_dim3A_93, %parallel_loop3A_466 = %broadcast_in_dim3A_95) -> (vector<16xf32>, vector<16xf32>, vector<16xf32>, vector<16xf32>, vector<16xf32>, vector<16xf32>, vector<16xf32>, vector<16xf32>, vector<16xf32>, vector<16xf32>, vector<16xf32>, vector<16xf32>, vector<16xf32>, vector<16xf32>, vector<16xf32>, vector<16xf32>)  : i32 {
          %parallel_loop3A_467 = arith.index_cast %parallel_loop3A_450 : i32 to index
          %parallel_loop3A_468 = arith.constant 0 : index
          %parallel_loop3A_469 = tpu.vector_load %arg11[%parallel_loop3A_467, %parallel_loop3A_468] {strides = array<i32>} : memref<112x256xf32, #tpu.memory_space<vmem>>, vector<1x16xf32>,
          %parallel_loop3A_470 = vector.shape_cast %parallel_loop3A_469 : vector<1x16xf32> to vector<16xf32>
          %parallel_loop3A_471 = arith.addf %parallel_loop3A_451, %parallel_loop3A_470 : vector<16xf32>
          %parallel_loop3A_472 = arith.maximumf %parallel_loop3A_459, %parallel_loop3A_470 : vector<16xf32>
          %parallel_loop3A_473 = arith.index_cast %parallel_loop3A_450 : i32 to index
          %parallel_loop3A_474 = arith.constant 16 : index
          %parallel_loop3A_475 = tpu.vector_load %arg11[%parallel_loop3A_473, %parallel_loop3A_474] {strides = array<i32>} : memref<112x256xf32, #tpu.memory_space<vmem>>, vector<1x16xf32>,
          %parallel_loop3A_476 = vector.shape_cast %parallel_loop3A_475 : vector<1x16xf32> to vector<16xf32>
          %parallel_loop3A_477 = arith.addf %parallel_loop3A_452, %parallel_loop3A_476 : vector<16xf32>
          %parallel_loop3A_478 = arith.maximumf %parallel_loop3A_460, %parallel_loop3A_476 : vector<16xf32>
          %parallel_loop3A_479 = arith.index_cast %parallel_loop3A_450 : i32 to index
          %parallel_loop3A_480 = arith.constant 32 : index
          %parallel_loop3A_481 = tpu.vector_load %arg11[%parallel_loop3A_479, %parallel_loop3A_480] {strides = array<i32>} : memref<112x256xf32, #tpu.memory_space<vmem>>, vector<1x16xf32>,
          %parallel_loop3A_482 = vector.shape_cast %parallel_loop3A_481 : vector<1x16xf32> to vector<16xf32>
          %parallel_loop3A_483 = arith.addf %parallel_loop3A_453, %parallel_loop3A_482 : vector<16xf32>
          %parallel_loop3A_484 = arith.maximumf %parallel_loop3A_461, %parallel_loop3A_482 : vector<16xf32>
          %parallel_loop3A_485 = arith.index_cast %parallel_loop3A_450 : i32 to index
          %parallel_loop3A_486 = arith.constant 48 : index
          %parallel_loop3A_487 = tpu.vector_load %arg11[%parallel_loop3A_485, %parallel_loop3A_486] {strides = array<i32>} : memref<112x256xf32, #tpu.memory_space<vmem>>, vector<1x16xf32>,
          %parallel_loop3A_488 = vector.shape_cast %parallel_loop3A_487 : vector<1x16xf32> to vector<16xf32>
          %parallel_loop3A_489 = arith.addf %parallel_loop3A_454, %parallel_loop3A_488 : vector<16xf32>
          %parallel_loop3A_490 = arith.maximumf %parallel_loop3A_462, %parallel_loop3A_488 : vector<16xf32>
          %parallel_loop3A_491 = arith.index_cast %parallel_loop3A_450 : i32 to index
          %parallel_loop3A_492 = arith.constant 64 : index
          %parallel_loop3A_493 = tpu.vector_load %arg11[%parallel_loop3A_491, %parallel_loop3A_492] {strides = array<i32>} : memref<112x256xf32, #tpu.memory_space<vmem>>, vector<1x16xf32>,
          %parallel_loop3A_494 = vector.shape_cast %parallel_loop3A_493 : vector<1x16xf32> to vector<16xf32>
          %parallel_loop3A_495 = arith.addf %parallel_loop3A_455, %parallel_loop3A_494 : vector<16xf32>
          %parallel_loop3A_496 = arith.maximumf %parallel_loop3A_463, %parallel_loop3A_494 : vector<16xf32>
          %parallel_loop3A_497 = arith.index_cast %parallel_loop3A_450 : i32 to index
          %parallel_loop3A_498 = arith.constant 80 : index
          %parallel_loop3A_499 = tpu.vector_load %arg11[%parallel_loop3A_497, %parallel_loop3A_498] {strides = array<i32>} : memref<112x256xf32, #tpu.memory_space<vmem>>, vector<1x16xf32>,
          %parallel_loop3A_500 = vector.shape_cast %parallel_loop3A_499 : vector<1x16xf32> to vector<16xf32>
          %parallel_loop3A_501 = arith.addf %parallel_loop3A_456, %parallel_loop3A_500 : vector<16xf32>
          %parallel_loop3A_502 = arith.maximumf %parallel_loop3A_464, %parallel_loop3A_500 : vector<16xf32>
          %parallel_loop3A_503 = arith.index_cast %parallel_loop3A_450 : i32 to index
          %parallel_loop3A_504 = arith.constant 96 : index
          %parallel_loop3A_505 = tpu.vector_load %arg11[%parallel_loop3A_503, %parallel_loop3A_504] {strides = array<i32>} : memref<112x256xf32, #tpu.memory_space<vmem>>, vector<1x16xf32>,
          %parallel_loop3A_506 = vector.shape_cast %parallel_loop3A_505 : vector<1x16xf32> to vector<16xf32>
          %parallel_loop3A_507 = arith.addf %parallel_loop3A_457, %parallel_loop3A_506 : vector<16xf32>
          %parallel_loop3A_508 = arith.maximumf %parallel_loop3A_465, %parallel_loop3A_506 : vector<16xf32>
          %parallel_loop3A_509 = arith.index_cast %parallel_loop3A_450 : i32 to index
          %parallel_loop3A_510 = arith.constant 112 : index
          %parallel_loop3A_511 = tpu.vector_load %arg11[%parallel_loop3A_509, %parallel_loop3A_510] {strides = array<i32>} : memref<112x256xf32, #tpu.memory_space<vmem>>, vector<1x16xf32>,
          %parallel_loop3A_512 = vector.shape_cast %parallel_loop3A_511 : vector<1x16xf32> to vector<16xf32>
          %parallel_loop3A_513 = arith.addf %parallel_loop3A_458, %parallel_loop3A_512 : vector<16xf32>
          %parallel_loop3A_514 = arith.maximumf %parallel_loop3A_466, %parallel_loop3A_512 : vector<16xf32>
          scf.yield %parallel_loop3A_471, %parallel_loop3A_477, %parallel_loop3A_483, %parallel_loop3A_489, %parallel_loop3A_495, %parallel_loop3A_501, %parallel_loop3A_507, %parallel_loop3A_513, %parallel_loop3A_472, %parallel_loop3A_478, %parallel_loop3A_484, %parallel_loop3A_490, %parallel_loop3A_496, %parallel_loop3A_502, %parallel_loop3A_508, %parallel_loop3A_514 : vector<16xf32>, vector<16xf32>, vector<16xf32>, vector<16xf32>, vector<16xf32>, vector<16xf32>, vector<16xf32>, vector<16xf32>, vector<16xf32>, vector<16xf32>, vector<16xf32>, vector<16xf32>, vector<16xf32>, vector<16xf32>, vector<16xf32>, vector<16xf32>
        } {sc.loop_unroll_factor = 4 : i64, sc.parallel_access}
        %get3A_97 = arith.index_cast %add3A_47 : i32 to index
        %get3A_98 = arith.constant 0 : index
        %get3A_99 = tpu.vector_load %arg9[%get3A_97, %get3A_98] {strides = array<i32>} : memref<128x256xf32, #tpu.memory_space<vmem>>, vector<1x16xf32>,
        %get3A_100 = vector.shape_cast %get3A_99 : vector<1x16xf32> to vector<16xf32>
        %add3A_101 = arith.addf %get3A_100, %parallel_loop3A_96#0 : vector<16xf32>
        %swap3A = arith.index_cast %add3A_47 : i32 to index
        %swap3A_102 = arith.constant 0 : index
        %swap3A_103 = tpu.vector_load %arg9[%swap3A, %swap3A_102] {strides = array<i32>} : memref<128x256xf32, #tpu.memory_space<vmem>>, vector<1x16xf32>,
        %swap3A_104 = vector.shape_cast %swap3A_103 : vector<1x16xf32> to vector<16xf32>
        %swap3A_105 = vector.shape_cast %add3A_101 : vector<16xf32> to vector<1x16xf32>
        tpu.vector_store %arg9[%swap3A, %swap3A_102], %swap3A_105 {strides = array<i32>} : memref<128x256xf32, #tpu.memory_space<vmem>>, vector<1x16xf32>,
        %get3A_106 = arith.index_cast %add3A_47 : i32 to index
        %get3A_107 = arith.constant 0 : index
        %get3A_108 = tpu.vector_load %arg10[%get3A_106, %get3A_107] {strides = array<i32>} : memref<128x256xf32, #tpu.memory_space<vmem>>, vector<1x16xf32>,
        %get3A_109 = vector.shape_cast %get3A_108 : vector<1x16xf32> to vector<16xf32>
        %max3A_110 = arith.maximumf %get3A_109, %parallel_loop3A_96#8 : vector<16xf32>
        %swap3A_111 = arith.index_cast %add3A_47 : i32 to index
        %swap3A_112 = arith.constant 0 : index
        %swap3A_113 = tpu.vector_load %arg10[%swap3A_111, %swap3A_112] {strides = array<i32>} : memref<128x256xf32, #tpu.memory_space<vmem>>, vector<1x16xf32>,
        %swap3A_114 = vector.shape_cast %swap3A_113 : vector<1x16xf32> to vector<16xf32>
        %swap3A_115 = vector.shape_cast %max3A_110 : vector<16xf32> to vector<1x16xf32>
        tpu.vector_store %arg10[%swap3A_111, %swap3A_112], %swap3A_115 {strides = array<i32>} : memref<128x256xf32, #tpu.memory_space<vmem>>, vector<1x16xf32>,
        %get3A_116 = arith.index_cast %add3A_47 : i32 to index
        %get3A_117 = arith.constant 16 : index
        %get3A_118 = tpu.vector_load %arg9[%get3A_116, %get3A_117] {strides = array<i32>} : memref<128x256xf32, #tpu.memory_space<vmem>>, vector<1x16xf32>,
        %get3A_119 = vector.shape_cast %get3A_118 : vector<1x16xf32> to vector<16xf32>
        %add3A_120 = arith.addf %get3A_119, %parallel_loop3A_96#1 : vector<16xf32>
        %swap3A_121 = arith.index_cast %add3A_47 : i32 to index
        %swap3A_122 = arith.constant 16 : index
        %swap3A_123 = tpu.vector_load %arg9[%swap3A_121, %swap3A_122] {strides = array<i32>} : memref<128x256xf32, #tpu.memory_space<vmem>>, vector<1x16xf32>,
        %swap3A_124 = vector.shape_cast %swap3A_123 : vector<1x16xf32> to vector<16xf32>
        %swap3A_125 = vector.shape_cast %add3A_120 : vector<16xf32> to vector<1x16xf32>
        tpu.vector_store %arg9[%swap3A_121, %swap3A_122], %swap3A_125 {strides = array<i32>} : memref<128x256xf32, #tpu.memory_space<vmem>>, vector<1x16xf32>,
        %get3A_126 = arith.index_cast %add3A_47 : i32 to index
        %get3A_127 = arith.constant 16 : index
        %get3A_128 = tpu.vector_load %arg10[%get3A_126, %get3A_127] {strides = array<i32>} : memref<128x256xf32, #tpu.memory_space<vmem>>, vector<1x16xf32>,
        %get3A_129 = vector.shape_cast %get3A_128 : vector<1x16xf32> to vector<16xf32>
        %max3A_130 = arith.maximumf %get3A_129, %parallel_loop3A_96#9 : vector<16xf32>
        %swap3A_131 = arith.index_cast %add3A_47 : i32 to index
        %swap3A_132 = arith.constant 16 : index
        %swap3A_133 = tpu.vector_load %arg10[%swap3A_131, %swap3A_132] {strides = array<i32>} : memref<128x256xf32, #tpu.memory_space<vmem>>, vector<1x16xf32>,
        %swap3A_134 = vector.shape_cast %swap3A_133 : vector<1x16xf32> to vector<16xf32>
        %swap3A_135 = vector.shape_cast %max3A_130 : vector<16xf32> to vector<1x16xf32>
        tpu.vector_store %arg10[%swap3A_131, %swap3A_132], %swap3A_135 {strides = array<i32>} : memref<128x256xf32, #tpu.memory_space<vmem>>, vector<1x16xf32>,
        %get3A_136 = arith.index_cast %add3A_47 : i32 to index
        %get3A_137 = arith.constant 32 : index
        %get3A_138 = tpu.vector_load %arg9[%get3A_136, %get3A_137] {strides = array<i32>} : memref<128x256xf32, #tpu.memory_space<vmem>>, vector<1x16xf32>,
        %get3A_139 = vector.shape_cast %get3A_138 : vector<1x16xf32> to vector<16xf32>
        %add3A_140 = arith.addf %get3A_139, %parallel_loop3A_96#2 : vector<16xf32>
        %swap3A_141 = arith.index_cast %add3A_47 : i32 to index
        %swap3A_142 = arith.constant 32 : index
        %swap3A_143 = tpu.vector_load %arg9[%swap3A_141, %swap3A_142] {strides = array<i32>} : memref<128x256xf32, #tpu.memory_space<vmem>>, vector<1x16xf32>,
        %swap3A_144 = vector.shape_cast %swap3A_143 : vector<1x16xf32> to vector<16xf32>
        %swap3A_145 = vector.shape_cast %add3A_140 : vector<16xf32> to vector<1x16xf32>
        tpu.vector_store %arg9[%swap3A_141, %swap3A_142], %swap3A_145 {strides = array<i32>} : memref<128x256xf32, #tpu.memory_space<vmem>>, vector<1x16xf32>,
        %get3A_146 = arith.index_cast %add3A_47 : i32 to index
        %get3A_147 = arith.constant 32 : index
        %get3A_148 = tpu.vector_load %arg10[%get3A_146, %get3A_147] {strides = array<i32>} : memref<128x256xf32, #tpu.memory_space<vmem>>, vector<1x16xf32>,
        %get3A_149 = vector.shape_cast %get3A_148 : vector<1x16xf32> to vector<16xf32>
        %max3A_150 = arith.maximumf %get3A_149, %parallel_loop3A_96#10 : vector<16xf32>
        %swap3A_151 = arith.index_cast %add3A_47 : i32 to index
        %swap3A_152 = arith.constant 32 : index
        %swap3A_153 = tpu.vector_load %arg10[%swap3A_151, %swap3A_152] {strides = array<i32>} : memref<128x256xf32, #tpu.memory_space<vmem>>, vector<1x16xf32>,
        %swap3A_154 = vector.shape_cast %swap3A_153 : vector<1x16xf32> to vector<16xf32>
        %swap3A_155 = vector.shape_cast %max3A_150 : vector<16xf32> to vector<1x16xf32>
        tpu.vector_store %arg10[%swap3A_151, %swap3A_152], %swap3A_155 {strides = array<i32>} : memref<128x256xf32, #tpu.memory_space<vmem>>, vector<1x16xf32>,
        %get3A_156 = arith.index_cast %add3A_47 : i32 to index
        %get3A_157 = arith.constant 48 : index
        %get3A_158 = tpu.vector_load %arg9[%get3A_156, %get3A_157] {strides = array<i32>} : memref<128x256xf32, #tpu.memory_space<vmem>>, vector<1x16xf32>,
        %get3A_159 = vector.shape_cast %get3A_158 : vector<1x16xf32> to vector<16xf32>
        %add3A_160 = arith.addf %get3A_159, %parallel_loop3A_96#3 : vector<16xf32>
        %swap3A_161 = arith.index_cast %add3A_47 : i32 to index
        %swap3A_162 = arith.constant 48 : index
        %swap3A_163 = tpu.vector_load %arg9[%swap3A_161, %swap3A_162] {strides = array<i32>} : memref<128x256xf32, #tpu.memory_space<vmem>>, vector<1x16xf32>,
        %swap3A_164 = vector.shape_cast %swap3A_163 : vector<1x16xf32> to vector<16xf32>
        %swap3A_165 = vector.shape_cast %add3A_160 : vector<16xf32> to vector<1x16xf32>
        tpu.vector_store %arg9[%swap3A_161, %swap3A_162], %swap3A_165 {strides = array<i32>} : memref<128x256xf32, #tpu.memory_space<vmem>>, vector<1x16xf32>,
        %get3A_166 = arith.index_cast %add3A_47 : i32 to index
        %get3A_167 = arith.constant 48 : index
        %get3A_168 = tpu.vector_load %arg10[%get3A_166, %get3A_167] {strides = array<i32>} : memref<128x256xf32, #tpu.memory_space<vmem>>, vector<1x16xf32>,
        %get3A_169 = vector.shape_cast %get3A_168 : vector<1x16xf32> to vector<16xf32>
        %max3A_170 = arith.maximumf %get3A_169, %parallel_loop3A_96#11 : vector<16xf32>
        %swap3A_171 = arith.index_cast %add3A_47 : i32 to index
        %swap3A_172 = arith.constant 48 : index
        %swap3A_173 = tpu.vector_load %arg10[%swap3A_171, %swap3A_172] {strides = array<i32>} : memref<128x256xf32, #tpu.memory_space<vmem>>, vector<1x16xf32>,
        %swap3A_174 = vector.shape_cast %swap3A_173 : vector<1x16xf32> to vector<16xf32>
        %swap3A_175 = vector.shape_cast %max3A_170 : vector<16xf32> to vector<1x16xf32>
        tpu.vector_store %arg10[%swap3A_171, %swap3A_172], %swap3A_175 {strides = array<i32>} : memref<128x256xf32, #tpu.memory_space<vmem>>, vector<1x16xf32>,
        %get3A_176 = arith.index_cast %add3A_47 : i32 to index
        %get3A_177 = arith.constant 64 : index
        %get3A_178 = tpu.vector_load %arg9[%get3A_176, %get3A_177] {strides = array<i32>} : memref<128x256xf32, #tpu.memory_space<vmem>>, vector<1x16xf32>,
        %get3A_179 = vector.shape_cast %get3A_178 : vector<1x16xf32> to vector<16xf32>
        %add3A_180 = arith.addf %get3A_179, %parallel_loop3A_96#4 : vector<16xf32>
        %swap3A_181 = arith.index_cast %add3A_47 : i32 to index
        %swap3A_182 = arith.constant 64 : index
        %swap3A_183 = tpu.vector_load %arg9[%swap3A_181, %swap3A_182] {strides = array<i32>} : memref<128x256xf32, #tpu.memory_space<vmem>>, vector<1x16xf32>,
        %swap3A_184 = vector.shape_cast %swap3A_183 : vector<1x16xf32> to vector<16xf32>
        %swap3A_185 = vector.shape_cast %add3A_180 : vector<16xf32> to vector<1x16xf32>
        tpu.vector_store %arg9[%swap3A_181, %swap3A_182], %swap3A_185 {strides = array<i32>} : memref<128x256xf32, #tpu.memory_space<vmem>>, vector<1x16xf32>,
        %get3A_186 = arith.index_cast %add3A_47 : i32 to index
        %get3A_187 = arith.constant 64 : index
        %get3A_188 = tpu.vector_load %arg10[%get3A_186, %get3A_187] {strides = array<i32>} : memref<128x256xf32, #tpu.memory_space<vmem>>, vector<1x16xf32>,
        %get3A_189 = vector.shape_cast %get3A_188 : vector<1x16xf32> to vector<16xf32>
        %max3A_190 = arith.maximumf %get3A_189, %parallel_loop3A_96#12 : vector<16xf32>
        %swap3A_191 = arith.index_cast %add3A_47 : i32 to index
        %swap3A_192 = arith.constant 64 : index
        %swap3A_193 = tpu.vector_load %arg10[%swap3A_191, %swap3A_192] {strides = array<i32>} : memref<128x256xf32, #tpu.memory_space<vmem>>, vector<1x16xf32>,
        %swap3A_194 = vector.shape_cast %swap3A_193 : vector<1x16xf32> to vector<16xf32>
        %swap3A_195 = vector.shape_cast %max3A_190 : vector<16xf32> to vector<1x16xf32>
        tpu.vector_store %arg10[%swap3A_191, %swap3A_192], %swap3A_195 {strides = array<i32>} : memref<128x256xf32, #tpu.memory_space<vmem>>, vector<1x16xf32>,
        %get3A_196 = arith.index_cast %add3A_47 : i32 to index
        %get3A_197 = arith.constant 80 : index
        %get3A_198 = tpu.vector_load %arg9[%get3A_196, %get3A_197] {strides = array<i32>} : memref<128x256xf32, #tpu.memory_space<vmem>>, vector<1x16xf32>,
        %get3A_199 = vector.shape_cast %get3A_198 : vector<1x16xf32> to vector<16xf32>
        %add3A_200 = arith.addf %get3A_199, %parallel_loop3A_96#5 : vector<16xf32>
        %swap3A_201 = arith.index_cast %add3A_47 : i32 to index
        %swap3A_202 = arith.constant 80 : index
        %swap3A_203 = tpu.vector_load %arg9[%swap3A_201, %swap3A_202] {strides = array<i32>} : memref<128x256xf32, #tpu.memory_space<vmem>>, vector<1x16xf32>,
        %swap3A_204 = vector.shape_cast %swap3A_203 : vector<1x16xf32> to vector<16xf32>
        %swap3A_205 = vector.shape_cast %add3A_200 : vector<16xf32> to vector<1x16xf32>
        tpu.vector_store %arg9[%swap3A_201, %swap3A_202], %swap3A_205 {strides = array<i32>} : memref<128x256xf32, #tpu.memory_space<vmem>>, vector<1x16xf32>,
        %get3A_206 = arith.index_cast %add3A_47 : i32 to index
        %get3A_207 = arith.constant 80 : index
        %get3A_208 = tpu.vector_load %arg10[%get3A_206, %get3A_207] {strides = array<i32>} : memref<128x256xf32, #tpu.memory_space<vmem>>, vector<1x16xf32>,
        %get3A_209 = vector.shape_cast %get3A_208 : vector<1x16xf32> to vector<16xf32>
        %max3A_210 = arith.maximumf %get3A_209, %parallel_loop3A_96#13 : vector<16xf32>
        %swap3A_211 = arith.index_cast %add3A_47 : i32 to index
        %swap3A_212 = arith.constant 80 : index
        %swap3A_213 = tpu.vector_load %arg10[%swap3A_211, %swap3A_212] {strides = array<i32>} : memref<128x256xf32, #tpu.memory_space<vmem>>, vector<1x16xf32>,
        %swap3A_214 = vector.shape_cast %swap3A_213 : vector<1x16xf32> to vector<16xf32>
        %swap3A_215 = vector.shape_cast %max3A_210 : vector<16xf32> to vector<1x16xf32>
        tpu.vector_store %arg10[%swap3A_211, %swap3A_212], %swap3A_215 {strides = array<i32>} : memref<128x256xf32, #tpu.memory_space<vmem>>, vector<1x16xf32>,
        %get3A_216 = arith.index_cast %add3A_47 : i32 to index
        %get3A_217 = arith.constant 96 : index
        %get3A_218 = tpu.vector_load %arg9[%get3A_216, %get3A_217] {strides = array<i32>} : memref<128x256xf32, #tpu.memory_space<vmem>>, vector<1x16xf32>,
        %get3A_219 = vector.shape_cast %get3A_218 : vector<1x16xf32> to vector<16xf32>
        %add3A_220 = arith.addf %get3A_219, %parallel_loop3A_96#6 : vector<16xf32>
        %swap3A_221 = arith.index_cast %add3A_47 : i32 to index
        %swap3A_222 = arith.constant 96 : index
        %swap3A_223 = tpu.vector_load %arg9[%swap3A_221, %swap3A_222] {strides = array<i32>} : memref<128x256xf32, #tpu.memory_space<vmem>>, vector<1x16xf32>,
        %swap3A_224 = vector.shape_cast %swap3A_223 : vector<1x16xf32> to vector<16xf32>
        %swap3A_225 = vector.shape_cast %add3A_220 : vector<16xf32> to vector<1x16xf32>
        tpu.vector_store %arg9[%swap3A_221, %swap3A_222], %swap3A_225 {strides = array<i32>} : memref<128x256xf32, #tpu.memory_space<vmem>>, vector<1x16xf32>,
        %get3A_226 = arith.index_cast %add3A_47 : i32 to index
        %get3A_227 = arith.constant 96 : index
        %get3A_228 = tpu.vector_load %arg10[%get3A_226, %get3A_227] {strides = array<i32>} : memref<128x256xf32, #tpu.memory_space<vmem>>, vector<1x16xf32>,
        %get3A_229 = vector.shape_cast %get3A_228 : vector<1x16xf32> to vector<16xf32>
        %max3A_230 = arith.maximumf %get3A_229, %parallel_loop3A_96#14 : vector<16xf32>
        %swap3A_231 = arith.index_cast %add3A_47 : i32 to index
        %swap3A_232 = arith.constant 96 : index
        %swap3A_233 = tpu.vector_load %arg10[%swap3A_231, %swap3A_232] {strides = array<i32>} : memref<128x256xf32, #tpu.memory_space<vmem>>, vector<1x16xf32>,
        %swap3A_234 = vector.shape_cast %swap3A_233 : vector<1x16xf32> to vector<16xf32>
        %swap3A_235 = vector.shape_cast %max3A_230 : vector<16xf32> to vector<1x16xf32>
        tpu.vector_store %arg10[%swap3A_231, %swap3A_232], %swap3A_235 {strides = array<i32>} : memref<128x256xf32, #tpu.memory_space<vmem>>, vector<1x16xf32>,
        %get3A_236 = arith.index_cast %add3A_47 : i32 to index
        %get3A_237 = arith.constant 112 : index
        %get3A_238 = tpu.vector_load %arg9[%get3A_236, %get3A_237] {strides = array<i32>} : memref<128x256xf32, #tpu.memory_space<vmem>>, vector<1x16xf32>,
        %get3A_239 = vector.shape_cast %get3A_238 : vector<1x16xf32> to vector<16xf32>
        %add3A_240 = arith.addf %get3A_239, %parallel_loop3A_96#7 : vector<16xf32>
        %swap3A_241 = arith.index_cast %add3A_47 : i32 to index
        %swap3A_242 = arith.constant 112 : index
        %swap3A_243 = tpu.vector_load %arg9[%swap3A_241, %swap3A_242] {strides = array<i32>} : memref<128x256xf32, #tpu.memory_space<vmem>>, vector<1x16xf32>,
        %swap3A_244 = vector.shape_cast %swap3A_243 : vector<1x16xf32> to vector<16xf32>
        %swap3A_245 = vector.shape_cast %add3A_240 : vector<16xf32> to vector<1x16xf32>
        tpu.vector_store %arg9[%swap3A_241, %swap3A_242], %swap3A_245 {strides = array<i32>} : memref<128x256xf32, #tpu.memory_space<vmem>>, vector<1x16xf32>,
        %get3A_246 = arith.index_cast %add3A_47 : i32 to index
        %get3A_247 = arith.constant 112 : index
        %get3A_248 = tpu.vector_load %arg10[%get3A_246, %get3A_247] {strides = array<i32>} : memref<128x256xf32, #tpu.memory_space<vmem>>, vector<1x16xf32>,
        %get3A_249 = vector.shape_cast %get3A_248 : vector<1x16xf32> to vector<16xf32>
        %max3A_250 = arith.maximumf %get3A_249, %parallel_loop3A_96#15 : vector<16xf32>
        %swap3A_251 = arith.index_cast %add3A_47 : i32 to index
        %swap3A_252 = arith.constant 112 : index
        %swap3A_253 = tpu.vector_load %arg10[%swap3A_251, %swap3A_252] {strides = array<i32>} : memref<128x256xf32, #tpu.memory_space<vmem>>, vector<1x16xf32>,
        %swap3A_254 = vector.shape_cast %swap3A_253 : vector<1x16xf32> to vector<16xf32>
        %swap3A_255 = vector.shape_cast %max3A_250 : vector<16xf32> to vector<1x16xf32>
        tpu.vector_store %arg10[%swap3A_251, %swap3A_252], %swap3A_255 {strides = array<i32>} : memref<128x256xf32, #tpu.memory_space<vmem>>, vector<1x16xf32>,
        %broadcast_in_dim3A_256 = arith.constant 0.000000e+00 : f32
        %broadcast_in_dim3A_257 = vector.broadcast %broadcast_in_dim3A_256 : f32 to vector<16xf32>
        %broadcast_in_dim3A_258 = arith.constant 0.000000e+00 : f32
        %broadcast_in_dim3A_259 = vector.broadcast %broadcast_in_dim3A_258 : f32 to vector<16xf32>
        %broadcast_in_dim3A_260 = arith.constant 0.000000e+00 : f32
        %broadcast_in_dim3A_261 = vector.broadcast %broadcast_in_dim3A_260 : f32 to vector<16xf32>
        %broadcast_in_dim3A_262 = arith.constant 0.000000e+00 : f32
        %broadcast_in_dim3A_263 = vector.broadcast %broadcast_in_dim3A_262 : f32 to vector<16xf32>
        %broadcast_in_dim3A_264 = arith.constant 0.000000e+00 : f32
        %broadcast_in_dim3A_265 = vector.broadcast %broadcast_in_dim3A_264 : f32 to vector<16xf32>
        %broadcast_in_dim3A_266 = arith.constant 0.000000e+00 : f32
        %broadcast_in_dim3A_267 = vector.broadcast %broadcast_in_dim3A_266 : f32 to vector<16xf32>
        %broadcast_in_dim3A_268 = arith.constant 0.000000e+00 : f32
        %broadcast_in_dim3A_269 = vector.broadcast %broadcast_in_dim3A_268 : f32 to vector<16xf32>
        %broadcast_in_dim3A_270 = arith.constant 0.000000e+00 : f32
        %broadcast_in_dim3A_271 = vector.broadcast %broadcast_in_dim3A_270 : f32 to vector<16xf32>
        %broadcast_in_dim3A_272 = arith.constant 0xFF800000 : f32
        %broadcast_in_dim3A_273 = vector.broadcast %broadcast_in_dim3A_272 : f32 to vector<16xf32>
        %broadcast_in_dim3A_274 = arith.constant 0xFF800000 : f32
        %broadcast_in_dim3A_275 = vector.broadcast %broadcast_in_dim3A_274 : f32 to vector<16xf32>
        %broadcast_in_dim3A_276 = arith.constant 0xFF800000 : f32
        %broadcast_in_dim3A_277 = vector.broadcast %broadcast_in_dim3A_276 : f32 to vector<16xf32>
        %broadcast_in_dim3A_278 = arith.constant 0xFF800000 : f32
        %broadcast_in_dim3A_279 = vector.broadcast %broadcast_in_dim3A_278 : f32 to vector<16xf32>
        %broadcast_in_dim3A_280 = arith.constant 0xFF800000 : f32
        %broadcast_in_dim3A_281 = vector.broadcast %broadcast_in_dim3A_280 : f32 to vector<16xf32>
        %broadcast_in_dim3A_282 = arith.constant 0xFF800000 : f32
        %broadcast_in_dim3A_283 = vector.broadcast %broadcast_in_dim3A_282 : f32 to vector<16xf32>
        %broadcast_in_dim3A_284 = arith.constant 0xFF800000 : f32
        %broadcast_in_dim3A_285 = vector.broadcast %broadcast_in_dim3A_284 : f32 to vector<16xf32>
        %broadcast_in_dim3A_286 = arith.constant 0xFF800000 : f32
        %broadcast_in_dim3A_287 = vector.broadcast %broadcast_in_dim3A_286 : f32 to vector<16xf32>
        %parallel_loop3A_288 = arith.constant 1 : i32
        %parallel_loop3A_289:16 = scf.for %parallel_loop3A_450 = %max3A_54 to %max3A_64 step %parallel_loop3A_288 iter_args(%parallel_loop3A_451 = %broadcast_in_dim3A_257, %parallel_loop3A_452 = %broadcast_in_dim3A_259, %parallel_loop3A_453 = %broadcast_in_dim3A_261, %parallel_loop3A_454 = %broadcast_in_dim3A_263, %parallel_loop3A_455 = %broadcast_in_dim3A_265, %parallel_loop3A_456 = %broadcast_in_dim3A_267, %parallel_loop3A_457 = %broadcast_in_dim3A_269, %parallel_loop3A_458 = %broadcast_in_dim3A_271, %parallel_loop3A_459 = %broadcast_in_dim3A_273, %parallel_loop3A_460 = %broadcast_in_dim3A_275, %parallel_loop3A_461 = %broadcast_in_dim3A_277, %parallel_loop3A_462 = %broadcast_in_dim3A_279, %parallel_loop3A_463 = %broadcast_in_dim3A_281, %parallel_loop3A_464 = %broadcast_in_dim3A_283, %parallel_loop3A_465 = %broadcast_in_dim3A_285, %parallel_loop3A_466 = %broadcast_in_dim3A_287) -> (vector<16xf32>, vector<16xf32>, vector<16xf32>, vector<16xf32>, vector<16xf32>, vector<16xf32>, vector<16xf32>, vector<16xf32>, vector<16xf32>, vector<16xf32>, vector<16xf32>, vector<16xf32>, vector<16xf32>, vector<16xf32>, vector<16xf32>, vector<16xf32>)  : i32 {
          %parallel_loop3A_467 = arith.index_cast %parallel_loop3A_450 : i32 to index
          %parallel_loop3A_468 = arith.constant 128 : index
          %parallel_loop3A_469 = tpu.vector_load %arg11[%parallel_loop3A_467, %parallel_loop3A_468] {strides = array<i32>} : memref<112x256xf32, #tpu.memory_space<vmem>>, vector<1x16xf32>,
          %parallel_loop3A_470 = vector.shape_cast %parallel_loop3A_469 : vector<1x16xf32> to vector<16xf32>
          %parallel_loop3A_471 = arith.addf %parallel_loop3A_451, %parallel_loop3A_470 : vector<16xf32>
          %parallel_loop3A_472 = arith.maximumf %parallel_loop3A_459, %parallel_loop3A_470 : vector<16xf32>
          %parallel_loop3A_473 = arith.index_cast %parallel_loop3A_450 : i32 to index
          %parallel_loop3A_474 = arith.constant 144 : index
          %parallel_loop3A_475 = tpu.vector_load %arg11[%parallel_loop3A_473, %parallel_loop3A_474] {strides = array<i32>} : memref<112x256xf32, #tpu.memory_space<vmem>>, vector<1x16xf32>,
          %parallel_loop3A_476 = vector.shape_cast %parallel_loop3A_475 : vector<1x16xf32> to vector<16xf32>
          %parallel_loop3A_477 = arith.addf %parallel_loop3A_452, %parallel_loop3A_476 : vector<16xf32>
          %parallel_loop3A_478 = arith.maximumf %parallel_loop3A_460, %parallel_loop3A_476 : vector<16xf32>
          %parallel_loop3A_479 = arith.index_cast %parallel_loop3A_450 : i32 to index
          %parallel_loop3A_480 = arith.constant 160 : index
          %parallel_loop3A_481 = tpu.vector_load %arg11[%parallel_loop3A_479, %parallel_loop3A_480] {strides = array<i32>} : memref<112x256xf32, #tpu.memory_space<vmem>>, vector<1x16xf32>,
          %parallel_loop3A_482 = vector.shape_cast %parallel_loop3A_481 : vector<1x16xf32> to vector<16xf32>
          %parallel_loop3A_483 = arith.addf %parallel_loop3A_453, %parallel_loop3A_482 : vector<16xf32>
          %parallel_loop3A_484 = arith.maximumf %parallel_loop3A_461, %parallel_loop3A_482 : vector<16xf32>
          %parallel_loop3A_485 = arith.index_cast %parallel_loop3A_450 : i32 to index
          %parallel_loop3A_486 = arith.constant 176 : index
          %parallel_loop3A_487 = tpu.vector_load %arg11[%parallel_loop3A_485, %parallel_loop3A_486] {strides = array<i32>} : memref<112x256xf32, #tpu.memory_space<vmem>>, vector<1x16xf32>,
          %parallel_loop3A_488 = vector.shape_cast %parallel_loop3A_487 : vector<1x16xf32> to vector<16xf32>
          %parallel_loop3A_489 = arith.addf %parallel_loop3A_454, %parallel_loop3A_488 : vector<16xf32>
          %parallel_loop3A_490 = arith.maximumf %parallel_loop3A_462, %parallel_loop3A_488 : vector<16xf32>
          %parallel_loop3A_491 = arith.index_cast %parallel_loop3A_450 : i32 to index
          %parallel_loop3A_492 = arith.constant 192 : index
          %parallel_loop3A_493 = tpu.vector_load %arg11[%parallel_loop3A_491, %parallel_loop3A_492] {strides = array<i32>} : memref<112x256xf32, #tpu.memory_space<vmem>>, vector<1x16xf32>,
          %parallel_loop3A_494 = vector.shape_cast %parallel_loop3A_493 : vector<1x16xf32> to vector<16xf32>
          %parallel_loop3A_495 = arith.addf %parallel_loop3A_455, %parallel_loop3A_494 : vector<16xf32>
          %parallel_loop3A_496 = arith.maximumf %parallel_loop3A_463, %parallel_loop3A_494 : vector<16xf32>
          %parallel_loop3A_497 = arith.index_cast %parallel_loop3A_450 : i32 to index
          %parallel_loop3A_498 = arith.constant 208 : index
          %parallel_loop3A_499 = tpu.vector_load %arg11[%parallel_loop3A_497, %parallel_loop3A_498] {strides = array<i32>} : memref<112x256xf32, #tpu.memory_space<vmem>>, vector<1x16xf32>,
          %parallel_loop3A_500 = vector.shape_cast %parallel_loop3A_499 : vector<1x16xf32> to vector<16xf32>
          %parallel_loop3A_501 = arith.addf %parallel_loop3A_456, %parallel_loop3A_500 : vector<16xf32>
          %parallel_loop3A_502 = arith.maximumf %parallel_loop3A_464, %parallel_loop3A_500 : vector<16xf32>
          %parallel_loop3A_503 = arith.index_cast %parallel_loop3A_450 : i32 to index
          %parallel_loop3A_504 = arith.constant 224 : index
          %parallel_loop3A_505 = tpu.vector_load %arg11[%parallel_loop3A_503, %parallel_loop3A_504] {strides = array<i32>} : memref<112x256xf32, #tpu.memory_space<vmem>>, vector<1x16xf32>,
          %parallel_loop3A_506 = vector.shape_cast %parallel_loop3A_505 : vector<1x16xf32> to vector<16xf32>
          %parallel_loop3A_507 = arith.addf %parallel_loop3A_457, %parallel_loop3A_506 : vector<16xf32>
          %parallel_loop3A_508 = arith.maximumf %parallel_loop3A_465, %parallel_loop3A_506 : vector<16xf32>
          %parallel_loop3A_509 = arith.index_cast %parallel_loop3A_450 : i32 to index
          %parallel_loop3A_510 = arith.constant 240 : index
          %parallel_loop3A_511 = tpu.vector_load %arg11[%parallel_loop3A_509, %parallel_loop3A_510] {strides = array<i32>} : memref<112x256xf32, #tpu.memory_space<vmem>>, vector<1x16xf32>,
          %parallel_loop3A_512 = vector.shape_cast %parallel_loop3A_511 : vector<1x16xf32> to vector<16xf32>
          %parallel_loop3A_513 = arith.addf %parallel_loop3A_458, %parallel_loop3A_512 : vector<16xf32>
          %parallel_loop3A_514 = arith.maximumf %parallel_loop3A_466, %parallel_loop3A_512 : vector<16xf32>
          scf.yield %parallel_loop3A_471, %parallel_loop3A_477, %parallel_loop3A_483, %parallel_loop3A_489, %parallel_loop3A_495, %parallel_loop3A_501, %parallel_loop3A_507, %parallel_loop3A_513, %parallel_loop3A_472, %parallel_loop3A_478, %parallel_loop3A_484, %parallel_loop3A_490, %parallel_loop3A_496, %parallel_loop3A_502, %parallel_loop3A_508, %parallel_loop3A_514 : vector<16xf32>, vector<16xf32>, vector<16xf32>, vector<16xf32>, vector<16xf32>, vector<16xf32>, vector<16xf32>, vector<16xf32>, vector<16xf32>, vector<16xf32>, vector<16xf32>, vector<16xf32>, vector<16xf32>, vector<16xf32>, vector<16xf32>, vector<16xf32>
        } {sc.loop_unroll_factor = 4 : i64, sc.parallel_access}
        %get3A_290 = arith.index_cast %add3A_47 : i32 to index
        %get3A_291 = arith.constant 128 : index
        %get3A_292 = tpu.vector_load %arg9[%get3A_290, %get3A_291] {strides = array<i32>} : memref<128x256xf32, #tpu.memory_space<vmem>>, vector<1x16xf32>,
        %get3A_293 = vector.shape_cast %get3A_292 : vector<1x16xf32> to vector<16xf32>
        %add3A_294 = arith.addf %get3A_293, %parallel_loop3A_289#0 : vector<16xf32>
        %swap3A_295 = arith.index_cast %add3A_47 : i32 to index
        %swap3A_296 = arith.constant 128 : index
        %swap3A_297 = tpu.vector_load %arg9[%swap3A_295, %swap3A_296] {strides = array<i32>} : memref<128x256xf32, #tpu.memory_space<vmem>>, vector<1x16xf32>,
        %swap3A_298 = vector.shape_cast %swap3A_297 : vector<1x16xf32> to vector<16xf32>
        %swap3A_299 = vector.shape_cast %add3A_294 : vector<16xf32> to vector<1x16xf32>
        tpu.vector_store %arg9[%swap3A_295, %swap3A_296], %swap3A_299 {strides = array<i32>} : memref<128x256xf32, #tpu.memory_space<vmem>>, vector<1x16xf32>,
        %get3A_300 = arith.index_cast %add3A_47 : i32 to index
        %get3A_301 = arith.constant 128 : index
        %get3A_302 = tpu.vector_load %arg10[%get3A_300, %get3A_301] {strides = array<i32>} : memref<128x256xf32, #tpu.memory_space<vmem>>, vector<1x16xf32>,
        %get3A_303 = vector.shape_cast %get3A_302 : vector<1x16xf32> to vector<16xf32>
        %max3A_304 = arith.maximumf %get3A_303, %parallel_loop3A_289#8 : vector<16xf32>
        %swap3A_305 = arith.index_cast %add3A_47 : i32 to index
        %swap3A_306 = arith.constant 128 : index
        %swap3A_307 = tpu.vector_load %arg10[%swap3A_305, %swap3A_306] {strides = array<i32>} : memref<128x256xf32, #tpu.memory_space<vmem>>, vector<1x16xf32>,
        %swap3A_308 = vector.shape_cast %swap3A_307 : vector<1x16xf32> to vector<16xf32>
        %swap3A_309 = vector.shape_cast %max3A_304 : vector<16xf32> to vector<1x16xf32>
        tpu.vector_store %arg10[%swap3A_305, %swap3A_306], %swap3A_309 {strides = array<i32>} : memref<128x256xf32, #tpu.memory_space<vmem>>, vector<1x16xf32>,
        %get3A_310 = arith.index_cast %add3A_47 : i32 to index
        %get3A_311 = arith.constant 144 : index
        %get3A_312 = tpu.vector_load %arg9[%get3A_310, %get3A_311] {strides = array<i32>} : memref<128x256xf32, #tpu.memory_space<vmem>>, vector<1x16xf32>,
        %get3A_313 = vector.shape_cast %get3A_312 : vector<1x16xf32> to vector<16xf32>
        %add3A_314 = arith.addf %get3A_313, %parallel_loop3A_289#1 : vector<16xf32>
        %swap3A_315 = arith.index_cast %add3A_47 : i32 to index
        %swap3A_316 = arith.constant 144 : index
        %swap3A_317 = tpu.vector_load %arg9[%swap3A_315, %swap3A_316] {strides = array<i32>} : memref<128x256xf32, #tpu.memory_space<vmem>>, vector<1x16xf32>,
        %swap3A_318 = vector.shape_cast %swap3A_317 : vector<1x16xf32> to vector<16xf32>
        %swap3A_319 = vector.shape_cast %add3A_314 : vector<16xf32> to vector<1x16xf32>
        tpu.vector_store %arg9[%swap3A_315, %swap3A_316], %swap3A_319 {strides = array<i32>} : memref<128x256xf32, #tpu.memory_space<vmem>>, vector<1x16xf32>,
        %get3A_320 = arith.index_cast %add3A_47 : i32 to index
        %get3A_321 = arith.constant 144 : index
        %get3A_322 = tpu.vector_load %arg10[%get3A_320, %get3A_321] {strides = array<i32>} : memref<128x256xf32, #tpu.memory_space<vmem>>, vector<1x16xf32>,
        %get3A_323 = vector.shape_cast %get3A_322 : vector<1x16xf32> to vector<16xf32>
        %max3A_324 = arith.maximumf %get3A_323, %parallel_loop3A_289#9 : vector<16xf32>
        %swap3A_325 = arith.index_cast %add3A_47 : i32 to index
        %swap3A_326 = arith.constant 144 : index
        %swap3A_327 = tpu.vector_load %arg10[%swap3A_325, %swap3A_326] {strides = array<i32>} : memref<128x256xf32, #tpu.memory_space<vmem>>, vector<1x16xf32>,
        %swap3A_328 = vector.shape_cast %swap3A_327 : vector<1x16xf32> to vector<16xf32>
        %swap3A_329 = vector.shape_cast %max3A_324 : vector<16xf32> to vector<1x16xf32>
        tpu.vector_store %arg10[%swap3A_325, %swap3A_326], %swap3A_329 {strides = array<i32>} : memref<128x256xf32, #tpu.memory_space<vmem>>, vector<1x16xf32>,
        %get3A_330 = arith.index_cast %add3A_47 : i32 to index
        %get3A_331 = arith.constant 160 : index
        %get3A_332 = tpu.vector_load %arg9[%get3A_330, %get3A_331] {strides = array<i32>} : memref<128x256xf32, #tpu.memory_space<vmem>>, vector<1x16xf32>,
        %get3A_333 = vector.shape_cast %get3A_332 : vector<1x16xf32> to vector<16xf32>
        %add3A_334 = arith.addf %get3A_333, %parallel_loop3A_289#2 : vector<16xf32>
        %swap3A_335 = arith.index_cast %add3A_47 : i32 to index
        %swap3A_336 = arith.constant 160 : index
        %swap3A_337 = tpu.vector_load %arg9[%swap3A_335, %swap3A_336] {strides = array<i32>} : memref<128x256xf32, #tpu.memory_space<vmem>>, vector<1x16xf32>,
        %swap3A_338 = vector.shape_cast %swap3A_337 : vector<1x16xf32> to vector<16xf32>
        %swap3A_339 = vector.shape_cast %add3A_334 : vector<16xf32> to vector<1x16xf32>
        tpu.vector_store %arg9[%swap3A_335, %swap3A_336], %swap3A_339 {strides = array<i32>} : memref<128x256xf32, #tpu.memory_space<vmem>>, vector<1x16xf32>,
        %get3A_340 = arith.index_cast %add3A_47 : i32 to index
        %get3A_341 = arith.constant 160 : index
        %get3A_342 = tpu.vector_load %arg10[%get3A_340, %get3A_341] {strides = array<i32>} : memref<128x256xf32, #tpu.memory_space<vmem>>, vector<1x16xf32>,
        %get3A_343 = vector.shape_cast %get3A_342 : vector<1x16xf32> to vector<16xf32>
        %max3A_344 = arith.maximumf %get3A_343, %parallel_loop3A_289#10 : vector<16xf32>
        %swap3A_345 = arith.index_cast %add3A_47 : i32 to index
        %swap3A_346 = arith.constant 160 : index
        %swap3A_347 = tpu.vector_load %arg10[%swap3A_345, %swap3A_346] {strides = array<i32>} : memref<128x256xf32, #tpu.memory_space<vmem>>, vector<1x16xf32>,
        %swap3A_348 = vector.shape_cast %swap3A_347 : vector<1x16xf32> to vector<16xf32>
        %swap3A_349 = vector.shape_cast %max3A_344 : vector<16xf32> to vector<1x16xf32>
        tpu.vector_store %arg10[%swap3A_345, %swap3A_346], %swap3A_349 {strides = array<i32>} : memref<128x256xf32, #tpu.memory_space<vmem>>, vector<1x16xf32>,
        %get3A_350 = arith.index_cast %add3A_47 : i32 to index
        %get3A_351 = arith.constant 176 : index
        %get3A_352 = tpu.vector_load %arg9[%get3A_350, %get3A_351] {strides = array<i32>} : memref<128x256xf32, #tpu.memory_space<vmem>>, vector<1x16xf32>,
        %get3A_353 = vector.shape_cast %get3A_352 : vector<1x16xf32> to vector<16xf32>
        %add3A_354 = arith.addf %get3A_353, %parallel_loop3A_289#3 : vector<16xf32>
        %swap3A_355 = arith.index_cast %add3A_47 : i32 to index
        %swap3A_356 = arith.constant 176 : index
        %swap3A_357 = tpu.vector_load %arg9[%swap3A_355, %swap3A_356] {strides = array<i32>} : memref<128x256xf32, #tpu.memory_space<vmem>>, vector<1x16xf32>,
        %swap3A_358 = vector.shape_cast %swap3A_357 : vector<1x16xf32> to vector<16xf32>
        %swap3A_359 = vector.shape_cast %add3A_354 : vector<16xf32> to vector<1x16xf32>
        tpu.vector_store %arg9[%swap3A_355, %swap3A_356], %swap3A_359 {strides = array<i32>} : memref<128x256xf32, #tpu.memory_space<vmem>>, vector<1x16xf32>,
        %get3A_360 = arith.index_cast %add3A_47 : i32 to index
        %get3A_361 = arith.constant 176 : index
        %get3A_362 = tpu.vector_load %arg10[%get3A_360, %get3A_361] {strides = array<i32>} : memref<128x256xf32, #tpu.memory_space<vmem>>, vector<1x16xf32>,
        %get3A_363 = vector.shape_cast %get3A_362 : vector<1x16xf32> to vector<16xf32>
        %max3A_364 = arith.maximumf %get3A_363, %parallel_loop3A_289#11 : vector<16xf32>
        %swap3A_365 = arith.index_cast %add3A_47 : i32 to index
        %swap3A_366 = arith.constant 176 : index
        %swap3A_367 = tpu.vector_load %arg10[%swap3A_365, %swap3A_366] {strides = array<i32>} : memref<128x256xf32, #tpu.memory_space<vmem>>, vector<1x16xf32>,
        %swap3A_368 = vector.shape_cast %swap3A_367 : vector<1x16xf32> to vector<16xf32>
        %swap3A_369 = vector.shape_cast %max3A_364 : vector<16xf32> to vector<1x16xf32>
        tpu.vector_store %arg10[%swap3A_365, %swap3A_366], %swap3A_369 {strides = array<i32>} : memref<128x256xf32, #tpu.memory_space<vmem>>, vector<1x16xf32>,
        %get3A_370 = arith.index_cast %add3A_47 : i32 to index
        %get3A_371 = arith.constant 192 : index
        %get3A_372 = tpu.vector_load %arg9[%get3A_370, %get3A_371] {strides = array<i32>} : memref<128x256xf32, #tpu.memory_space<vmem>>, vector<1x16xf32>,
        %get3A_373 = vector.shape_cast %get3A_372 : vector<1x16xf32> to vector<16xf32>
        %add3A_374 = arith.addf %get3A_373, %parallel_loop3A_289#4 : vector<16xf32>
        %swap3A_375 = arith.index_cast %add3A_47 : i32 to index
        %swap3A_376 = arith.constant 192 : index
        %swap3A_377 = tpu.vector_load %arg9[%swap3A_375, %swap3A_376] {strides = array<i32>} : memref<128x256xf32, #tpu.memory_space<vmem>>, vector<1x16xf32>,
        %swap3A_378 = vector.shape_cast %swap3A_377 : vector<1x16xf32> to vector<16xf32>
        %swap3A_379 = vector.shape_cast %add3A_374 : vector<16xf32> to vector<1x16xf32>
        tpu.vector_store %arg9[%swap3A_375, %swap3A_376], %swap3A_379 {strides = array<i32>} : memref<128x256xf32, #tpu.memory_space<vmem>>, vector<1x16xf32>,
        %get3A_380 = arith.index_cast %add3A_47 : i32 to index
        %get3A_381 = arith.constant 192 : index
        %get3A_382 = tpu.vector_load %arg10[%get3A_380, %get3A_381] {strides = array<i32>} : memref<128x256xf32, #tpu.memory_space<vmem>>, vector<1x16xf32>,
        %get3A_383 = vector.shape_cast %get3A_382 : vector<1x16xf32> to vector<16xf32>
        %max3A_384 = arith.maximumf %get3A_383, %parallel_loop3A_289#12 : vector<16xf32>
        %swap3A_385 = arith.index_cast %add3A_47 : i32 to index
        %swap3A_386 = arith.constant 192 : index
        %swap3A_387 = tpu.vector_load %arg10[%swap3A_385, %swap3A_386] {strides = array<i32>} : memref<128x256xf32, #tpu.memory_space<vmem>>, vector<1x16xf32>,
        %swap3A_388 = vector.shape_cast %swap3A_387 : vector<1x16xf32> to vector<16xf32>
        %swap3A_389 = vector.shape_cast %max3A_384 : vector<16xf32> to vector<1x16xf32>
        tpu.vector_store %arg10[%swap3A_385, %swap3A_386], %swap3A_389 {strides = array<i32>} : memref<128x256xf32, #tpu.memory_space<vmem>>, vector<1x16xf32>,
        %get3A_390 = arith.index_cast %add3A_47 : i32 to index
        %get3A_391 = arith.constant 208 : index
        %get3A_392 = tpu.vector_load %arg9[%get3A_390, %get3A_391] {strides = array<i32>} : memref<128x256xf32, #tpu.memory_space<vmem>>, vector<1x16xf32>,
        %get3A_393 = vector.shape_cast %get3A_392 : vector<1x16xf32> to vector<16xf32>
        %add3A_394 = arith.addf %get3A_393, %parallel_loop3A_289#5 : vector<16xf32>
        %swap3A_395 = arith.index_cast %add3A_47 : i32 to index
        %swap3A_396 = arith.constant 208 : index
        %swap3A_397 = tpu.vector_load %arg9[%swap3A_395, %swap3A_396] {strides = array<i32>} : memref<128x256xf32, #tpu.memory_space<vmem>>, vector<1x16xf32>,
        %swap3A_398 = vector.shape_cast %swap3A_397 : vector<1x16xf32> to vector<16xf32>
        %swap3A_399 = vector.shape_cast %add3A_394 : vector<16xf32> to vector<1x16xf32>
        tpu.vector_store %arg9[%swap3A_395, %swap3A_396], %swap3A_399 {strides = array<i32>} : memref<128x256xf32, #tpu.memory_space<vmem>>, vector<1x16xf32>,
        %get3A_400 = arith.index_cast %add3A_47 : i32 to index
        %get3A_401 = arith.constant 208 : index
        %get3A_402 = tpu.vector_load %arg10[%get3A_400, %get3A_401] {strides = array<i32>} : memref<128x256xf32, #tpu.memory_space<vmem>>, vector<1x16xf32>,
        %get3A_403 = vector.shape_cast %get3A_402 : vector<1x16xf32> to vector<16xf32>
        %max3A_404 = arith.maximumf %get3A_403, %parallel_loop3A_289#13 : vector<16xf32>
        %swap3A_405 = arith.index_cast %add3A_47 : i32 to index
        %swap3A_406 = arith.constant 208 : index
        %swap3A_407 = tpu.vector_load %arg10[%swap3A_405, %swap3A_406] {strides = array<i32>} : memref<128x256xf32, #tpu.memory_space<vmem>>, vector<1x16xf32>,
        %swap3A_408 = vector.shape_cast %swap3A_407 : vector<1x16xf32> to vector<16xf32>
        %swap3A_409 = vector.shape_cast %max3A_404 : vector<16xf32> to vector<1x16xf32>
        tpu.vector_store %arg10[%swap3A_405, %swap3A_406], %swap3A_409 {strides = array<i32>} : memref<128x256xf32, #tpu.memory_space<vmem>>, vector<1x16xf32>,
        %get3A_410 = arith.index_cast %add3A_47 : i32 to index
        %get3A_411 = arith.constant 224 : index
        %get3A_412 = tpu.vector_load %arg9[%get3A_410, %get3A_411] {strides = array<i32>} : memref<128x256xf32, #tpu.memory_space<vmem>>, vector<1x16xf32>,
        %get3A_413 = vector.shape_cast %get3A_412 : vector<1x16xf32> to vector<16xf32>
        %add3A_414 = arith.addf %get3A_413, %parallel_loop3A_289#6 : vector<16xf32>
        %swap3A_415 = arith.index_cast %add3A_47 : i32 to index
        %swap3A_416 = arith.constant 224 : index
        %swap3A_417 = tpu.vector_load %arg9[%swap3A_415, %swap3A_416] {strides = array<i32>} : memref<128x256xf32, #tpu.memory_space<vmem>>, vector<1x16xf32>,
        %swap3A_418 = vector.shape_cast %swap3A_417 : vector<1x16xf32> to vector<16xf32>
        %swap3A_419 = vector.shape_cast %add3A_414 : vector<16xf32> to vector<1x16xf32>
        tpu.vector_store %arg9[%swap3A_415, %swap3A_416], %swap3A_419 {strides = array<i32>} : memref<128x256xf32, #tpu.memory_space<vmem>>, vector<1x16xf32>,
        %get3A_420 = arith.index_cast %add3A_47 : i32 to index
        %get3A_421 = arith.constant 224 : index
        %get3A_422 = tpu.vector_load %arg10[%get3A_420, %get3A_421] {strides = array<i32>} : memref<128x256xf32, #tpu.memory_space<vmem>>, vector<1x16xf32>,
        %get3A_423 = vector.shape_cast %get3A_422 : vector<1x16xf32> to vector<16xf32>
        %max3A_424 = arith.maximumf %get3A_423, %parallel_loop3A_289#14 : vector<16xf32>
        %swap3A_425 = arith.index_cast %add3A_47 : i32 to index
        %swap3A_426 = arith.constant 224 : index
        %swap3A_427 = tpu.vector_load %arg10[%swap3A_425, %swap3A_426] {strides = array<i32>} : memref<128x256xf32, #tpu.memory_space<vmem>>, vector<1x16xf32>,
        %swap3A_428 = vector.shape_cast %swap3A_427 : vector<1x16xf32> to vector<16xf32>
        %swap3A_429 = vector.shape_cast %max3A_424 : vector<16xf32> to vector<1x16xf32>
        tpu.vector_store %arg10[%swap3A_425, %swap3A_426], %swap3A_429 {strides = array<i32>} : memref<128x256xf32, #tpu.memory_space<vmem>>, vector<1x16xf32>,
        %get3A_430 = arith.index_cast %add3A_47 : i32 to index
        %get3A_431 = arith.constant 240 : index
        %get3A_432 = tpu.vector_load %arg9[%get3A_430, %get3A_431] {strides = array<i32>} : memref<128x256xf32, #tpu.memory_space<vmem>>, vector<1x16xf32>,
        %get3A_433 = vector.shape_cast %get3A_432 : vector<1x16xf32> to vector<16xf32>
        %add3A_434 = arith.addf %get3A_433, %parallel_loop3A_289#7 : vector<16xf32>
        %swap3A_435 = arith.index_cast %add3A_47 : i32 to index
        %swap3A_436 = arith.constant 240 : index
        %swap3A_437 = tpu.vector_load %arg9[%swap3A_435, %swap3A_436] {strides = array<i32>} : memref<128x256xf32, #tpu.memory_space<vmem>>, vector<1x16xf32>,
        %swap3A_438 = vector.shape_cast %swap3A_437 : vector<1x16xf32> to vector<16xf32>
        %swap3A_439 = vector.shape_cast %add3A_434 : vector<16xf32> to vector<1x16xf32>
        tpu.vector_store %arg9[%swap3A_435, %swap3A_436], %swap3A_439 {strides = array<i32>} : memref<128x256xf32, #tpu.memory_space<vmem>>, vector<1x16xf32>,
        %get3A_440 = arith.index_cast %add3A_47 : i32 to index
        %get3A_441 = arith.constant 240 : index
        %get3A_442 = tpu.vector_load %arg10[%get3A_440, %get3A_441] {strides = array<i32>} : memref<128x256xf32, #tpu.memory_space<vmem>>, vector<1x16xf32>,
        %get3A_443 = vector.shape_cast %get3A_442 : vector<1x16xf32> to vector<16xf32>
        %max3A_444 = arith.maximumf %get3A_443, %parallel_loop3A_289#15 : vector<16xf32>
        %swap3A_445 = arith.index_cast %add3A_47 : i32 to index
        %swap3A_446 = arith.constant 240 : index
        %swap3A_447 = tpu.vector_load %arg10[%swap3A_445, %swap3A_446] {strides = array<i32>} : memref<128x256xf32, #tpu.memory_space<vmem>>, vector<1x16xf32>,
        %swap3A_448 = vector.shape_cast %swap3A_447 : vector<1x16xf32> to vector<16xf32>
        %swap3A_449 = vector.shape_cast %max3A_444 : vector<16xf32> to vector<1x16xf32>
        tpu.vector_store %arg10[%swap3A_445, %swap3A_446], %swap3A_449 {strides = array<i32>} : memref<128x256xf32, #tpu.memory_space<vmem>>, vector<1x16xf32>,
      }
    }
    %scan3A_4 = arith.constant 14 : i32
    %run_scoped3A = arith.constant 0 : i32
    "tpu.region"() ({
      %run_scoped3A_6 = tpu.sem_alloc : memref<!tpu.dma_semaphore, #tpu.memory_space<semaphore_mem>>
      %dma_start3A = arith.constant 0 : i32
      %dma_start3A_7 = arith.constant 0 : i32
      %dma_start3A_8 = tpu.memref_slice %arg8[%add3A, %run_scoped3A, %dma_start3A, %dma_start3A_7] : memref<32x2x128x256xf32, #tpu.memory_space<hbm>> -> memref<1x1x128x256xf32, #tpu.memory_space<hbm>>
      %dma_start3A_9 = tpu.memref_squeeze %dma_start3A_8 : memref<1x1x128x256xf32, #tpu.memory_space<hbm>> -> memref<128x256xf32, #tpu.memory_space<hbm>>
      %dma_start3A_10 = arith.constant 0 : i32
      %dma_start3A_11 = arith.constant 0 : i32
      %dma_start3A_12 = tpu.memref_slice %arg8[%add3A, %run_scoped3A, %dma_start3A_10, %dma_start3A_11] : memref<32x2x128x256xf32, #tpu.memory_space<hbm>> -> memref<1x1x128x256xf32, #tpu.memory_space<hbm>>
      %dma_start3A_13 = tpu.memref_squeeze %dma_start3A_12 : memref<1x1x128x256xf32, #tpu.memory_space<hbm>> -> memref<128x256xf32, #tpu.memory_space<hbm>>
      tpu.enqueue_dma source(%arg9 : memref<128x256xf32, #tpu.memory_space<vmem>>) target(%dma_start3A_13 : memref<128x256xf32, #tpu.memory_space<hbm>>) target_semaphore(%run_scoped3A_6 : memref<!tpu.dma_semaphore, #tpu.memory_space<semaphore_mem>>)
      %dma_wait3A = arith.constant 0 : i32
      %dma_wait3A_14 = arith.constant 0 : i32
      %dma_wait3A_15 = tpu.memref_slice %arg8[%add3A, %run_scoped3A, %dma_wait3A, %dma_wait3A_14] : memref<32x2x128x256xf32, #tpu.memory_space<hbm>> -> memref<1x1x128x256xf32, #tpu.memory_space<hbm>>
      %dma_wait3A_16 = tpu.memref_squeeze %dma_wait3A_15 : memref<1x1x128x256xf32, #tpu.memory_space<hbm>> -> memref<128x256xf32, #tpu.memory_space<hbm>>
      %dma_wait3A_17 = arith.constant 0 : i32
      %dma_wait3A_18 = arith.constant 0 : i32
      %dma_wait3A_19 = tpu.memref_slice %arg8[%add3A, %run_scoped3A, %dma_wait3A_17, %dma_wait3A_18] : memref<32x2x128x256xf32, #tpu.memory_space<hbm>> -> memref<1x1x128x256xf32, #tpu.memory_space<hbm>>
      %dma_wait3A_20 = tpu.memref_squeeze %dma_wait3A_19 : memref<1x1x128x256xf32, #tpu.memory_space<hbm>> -> memref<128x256xf32, #tpu.memory_space<hbm>>
      tpu.wait_dma2 semaphore(%run_scoped3A_6 : memref<!tpu.dma_semaphore, #tpu.memory_space<semaphore_mem>>) src(%arg9 : memref<128x256xf32, #tpu.memory_space<vmem>>) dst(%dma_wait3A_20 : memref<128x256xf32, #tpu.memory_space<hbm>>)
      tpu.yield
    }) : () -> ()
    %run_scoped3A_5 = arith.constant 1 : i32
    "tpu.region"() ({
      %run_scoped3A_6 = tpu.sem_alloc : memref<!tpu.dma_semaphore, #tpu.memory_space<semaphore_mem>>
      %dma_start3A = arith.constant 0 : i32
      %dma_start3A_7 = arith.constant 0 : i32
      %dma_start3A_8 = tpu.memref_slice %arg8[%add3A, %run_scoped3A_5, %dma_start3A, %dma_start3A_7] : memref<32x2x128x256xf32, #tpu.memory_space<hbm>> -> memref<1x1x128x256xf32, #tpu.memory_space<hbm>>
      %dma_start3A_9 = tpu.memref_squeeze %dma_start3A_8 : memref<1x1x128x256xf32, #tpu.memory_space<hbm>> -> memref<128x256xf32, #tpu.memory_space<hbm>>
      %dma_start3A_10 = arith.constant 0 : i32
      %dma_start3A_11 = arith.constant 0 : i32
      %dma_start3A_12 = tpu.memref_slice %arg8[%add3A, %run_scoped3A_5, %dma_start3A_10, %dma_start3A_11] : memref<32x2x128x256xf32, #tpu.memory_space<hbm>> -> memref<1x1x128x256xf32, #tpu.memory_space<hbm>>
      %dma_start3A_13 = tpu.memref_squeeze %dma_start3A_12 : memref<1x1x128x256xf32, #tpu.memory_space<hbm>> -> memref<128x256xf32, #tpu.memory_space<hbm>>
      tpu.enqueue_dma source(%arg10 : memref<128x256xf32, #tpu.memory_space<vmem>>) target(%dma_start3A_13 : memref<128x256xf32, #tpu.memory_space<hbm>>) target_semaphore(%run_scoped3A_6 : memref<!tpu.dma_semaphore, #tpu.memory_space<semaphore_mem>>)
      %dma_wait3A = arith.constant 0 : i32
      %dma_wait3A_14 = arith.constant 0 : i32
      %dma_wait3A_15 = tpu.memref_slice %arg8[%add3A, %run_scoped3A_5, %dma_wait3A, %dma_wait3A_14] : memref<32x2x128x256xf32, #tpu.memory_space<hbm>> -> memref<1x1x128x256xf32, #tpu.memory_space<hbm>>
      %dma_wait3A_16 = tpu.memref_squeeze %dma_wait3A_15 : memref<1x1x128x256xf32, #tpu.memory_space<hbm>> -> memref<128x256xf32, #tpu.memory_space<hbm>>
      %dma_wait3A_17 = arith.constant 0 : i32
      %dma_wait3A_18 = arith.constant 0 : i32
      %dma_wait3A_19 = tpu.memref_slice %arg8[%add3A, %run_scoped3A_5, %dma_wait3A_17, %dma_wait3A_18] : memref<32x2x128x256xf32, #tpu.memory_space<hbm>> -> memref<1x1x128x256xf32, #tpu.memory_space<hbm>>
      %dma_wait3A_20 = tpu.memref_squeeze %dma_wait3A_19 : memref<1x1x128x256xf32, #tpu.memory_space<hbm>> -> memref<128x256xf32, #tpu.memory_space<hbm>>
      tpu.wait_dma2 semaphore(%run_scoped3A_6 : memref<!tpu.dma_semaphore, #tpu.memory_space<semaphore_mem>>) src(%arg10 : memref<128x256xf32, #tpu.memory_space<vmem>>) dst(%dma_wait3A_20 : memref<128x256xf32, #tpu.memory_space<hbm>>)
      tpu.yield
    }) : () -> ()
    return
  }
}

module attributes {stable_mosaic.version = 14 : i64} {
  func.func @_combine_kernel(%arg0: i32, %arg1: memref<1x2x128x256xf32, #tpu.memory_space<vmem>>, %arg2: memref<136x1xf32, #tpu.memory_space<vmem>>, %arg3: memref<512x256xf32, #tpu.memory_space<vmem>>, %arg4: memref<1x256xf32, #tpu.memory_space<vmem>>, %arg5: memref<128x256xf32, #tpu.memory_space<vmem>>, %arg6: memref<128x256xf32, #tpu.memory_space<vmem>>, %arg7: memref<128x256xf32, #tpu.memory_space<vmem>>) attributes {dimension_semantics = [#tpu.dimension_semantics<arbitrary>], iteration_bounds = array<i64: 32>, scalar_prefetch = 0 : i64, scratch_operands = 2 : i64, tpu.core_type = #tpu.core_type<tc>, window_params = [{transform_indices = @transform_0, window_bounds = array<i64: 1, 2, 128, 256>}, {pipeline_mode = #tpu.pipeline_mode<synchronous>, transform_indices = @transform_1, window_bounds = array<i64: 136, 1>}, {pipeline_mode = #tpu.pipeline_mode<synchronous>, transform_indices = @transform_2, window_bounds = array<i64: 512, 256>}, {pipeline_mode = #tpu.pipeline_mode<synchronous>, transform_indices = @transform_3, window_bounds = array<i64: 1, 256>}, {pipeline_mode = #tpu.pipeline_mode<synchronous>, transform_indices = @transform_4, window_bounds = array<i64: 128, 256>}]} {
    %eq3A = arith.constant 0 : i32
    %eq3A_0 = arith.cmpi eq, %arg0, %eq3A : i32
    %convert_element_type3A = arith.extui %eq3A_0 : i1 to i32
    %cond3A = arith.constant 0 : i32
    %cond3A_1 = arith.cmpi ne, %convert_element_type3A, %cond3A : i32
    scf.if %cond3A_1 {
      %broadcast_in_dim3A = arith.constant 0.000000e+00 : f32
      %broadcast_in_dim3A_29 = vector.broadcast %broadcast_in_dim3A : f32 to vector<128x256xf32>
      %swap3A_30 = arith.constant 0 : index
      %swap3A_31 = arith.constant 0 : index
      %swap3A_32 = vector.load %arg6[%swap3A_30, %swap3A_31] : memref<128x256xf32, #tpu.memory_space<vmem>>, vector<128x256xf32>
      tpu.vector_store %arg6[%swap3A_30, %swap3A_31], %broadcast_in_dim3A_29 {strides = array<i32>} : memref<128x256xf32, #tpu.memory_space<vmem>>, vector<128x256xf32>,
      %broadcast_in_dim3A_33 = arith.constant 0xFF800000 : f32
      %broadcast_in_dim3A_34 = vector.broadcast %broadcast_in_dim3A_33 : f32 to vector<128x256xf32>
      %swap3A_35 = arith.constant 0 : index
      %swap3A_36 = arith.constant 0 : index
      %swap3A_37 = vector.load %arg7[%swap3A_35, %swap3A_36] : memref<128x256xf32, #tpu.memory_space<vmem>>, vector<128x256xf32>
      tpu.vector_store %arg7[%swap3A_35, %swap3A_36], %broadcast_in_dim3A_34 {strides = array<i32>} : memref<128x256xf32, #tpu.memory_space<vmem>>, vector<128x256xf32>,
    } else {
    }
    %get3A = arith.constant 0 : index
    %get3A_2 = arith.constant 0 : index
    %get3A_3 = vector.load %arg6[%get3A, %get3A_2] : memref<128x256xf32, #tpu.memory_space<vmem>>, vector<128x256xf32>
    %get3A_4 = arith.constant 0 : index
    %get3A_5 = arith.constant 0 : index
    %get3A_6 = arith.constant 0 : index
    %get3A_7 = arith.constant 0 : index
    %get3A_8 = vector.load %arg1[%get3A_4, %get3A_5, %get3A_6, %get3A_7] : memref<1x2x128x256xf32, #tpu.memory_space<vmem>>, vector<1x1x128x256xf32>
    %get3A_9 = vector.shape_cast %get3A_8 : vector<1x1x128x256xf32> to vector<128x256xf32>
    %add3A = arith.addf %get3A_3, %get3A_9 : vector<128x256xf32>
    %swap3A = arith.constant 0 : index
    %swap3A_10 = arith.constant 0 : index
    %swap3A_11 = vector.load %arg6[%swap3A, %swap3A_10] : memref<128x256xf32, #tpu.memory_space<vmem>>, vector<128x256xf32>
    tpu.vector_store %arg6[%swap3A, %swap3A_10], %add3A {strides = array<i32>} : memref<128x256xf32, #tpu.memory_space<vmem>>, vector<128x256xf32>,
    %get3A_12 = arith.constant 0 : index
    %get3A_13 = arith.constant 0 : index
    %get3A_14 = vector.load %arg7[%get3A_12, %get3A_13] : memref<128x256xf32, #tpu.memory_space<vmem>>, vector<128x256xf32>
    %get3A_15 = arith.constant 0 : index
    %get3A_16 = arith.constant 1 : index
    %get3A_17 = arith.constant 0 : index
    %get3A_18 = arith.constant 0 : index
    %get3A_19 = vector.load %arg1[%get3A_15, %get3A_16, %get3A_17, %get3A_18] : memref<1x2x128x256xf32, #tpu.memory_space<vmem>>, vector<1x1x128x256xf32>
    %get3A_20 = vector.shape_cast %get3A_19 : vector<1x1x128x256xf32> to vector<128x256xf32>
    %max3A = arith.maximumf %get3A_14, %get3A_20 : vector<128x256xf32>
    %swap3A_21 = arith.constant 0 : index
    %swap3A_22 = arith.constant 0 : index
    %swap3A_23 = vector.load %arg7[%swap3A_21, %swap3A_22] : memref<128x256xf32, #tpu.memory_space<vmem>>, vector<128x256xf32>
    tpu.vector_store %arg7[%swap3A_21, %swap3A_22], %max3A {strides = array<i32>} : memref<128x256xf32, #tpu.memory_space<vmem>>, vector<128x256xf32>,
    %eq3A_24 = arith.constant 31 : i32
    %eq3A_25 = arith.cmpi eq, %arg0, %eq3A_24 : i32
    %convert_element_type3A_26 = arith.extui %eq3A_25 : i1 to i32
    %cond3A_27 = arith.constant 0 : i32
    %cond3A_28 = arith.cmpi ne, %convert_element_type3A_26, %cond3A_27 : i32
    scf.if %cond3A_28 {
      %get3A_29 = arith.constant 0 : index
      %get3A_30 = arith.constant 0 : index
      %get3A_31 = vector.load %arg2[%get3A_29, %get3A_30] : memref<136x1xf32, #tpu.memory_space<vmem>>, vector<136x1xf32>
      %slice3A = vector.extract_strided_slice %get3A_31 {offsets = [1, 0], sizes = [128, 1], strides = [1, 1]} : vector<136x1xf32> to vector<128x1xf32>
      %slice3A_32 = vector.extract_strided_slice %get3A_31 {offsets = [0, 0], sizes = [128, 1], strides = [1, 1]} : vector<136x1xf32> to vector<128x1xf32>
      %sub3A = arith.subf %slice3A, %slice3A_32 : vector<128x1xf32>
      %get3A_33 = arith.constant 0 : index
      %get3A_34 = arith.constant 0 : index
      %get3A_35 = vector.load %arg6[%get3A_33, %get3A_34] : memref<128x256xf32, #tpu.memory_space<vmem>>, vector<128x256xf32>
      %max3A_36 = arith.constant 1.000000e+00 : f32
      %max3A_37 = vector.broadcast %max3A_36 : f32 to vector<128x1xf32>
      %max3A_38 = arith.maximumf %sub3A, %max3A_37 : vector<128x1xf32>
      %div3A = vector.broadcast %max3A_38 : vector<128x1xf32> to vector<128x256xf32>
      %div3A_39 = arith.divf %get3A_35, %div3A : vector<128x256xf32>
      %get3A_40 = arith.constant 0 : index
      %get3A_41 = arith.constant 0 : index
      %get3A_42 = vector.load %arg7[%get3A_40, %get3A_41] : memref<128x256xf32, #tpu.memory_space<vmem>>, vector<128x256xf32>
      %concatenate3A = tpu.concatenate %get3A_42, %div3A_39 in 1 : vector<128x256xf32>, vector<128x256xf32> -> vector<128x512xf32>
      %get3A_43 = arith.constant 0 : index
      %get3A_44 = arith.constant 0 : index
      %get3A_45 = vector.load %arg3[%get3A_43, %get3A_44] : memref<512x256xf32, #tpu.memory_space<vmem>>, vector<512x256xf32>
      %dot_general3A = arith.constant dense<0.000000e+00> : vector<128x256xf32>
      %dot_general3A_46 = tpu.matmul %concatenate3A, %get3A_45, %dot_general3A {dimension_numbers = #tpu.dot_dimension_numbers<[1], [0], [0], [1], [0, 0, 1, 1], [], []>, transpose_lhs_hint = false} : vector<128x512xf32>, vector<512x256xf32>, vector<128x256xf32> -> vector<128x256xf32>
      %get3A_47 = arith.constant 0 : index
      %get3A_48 = arith.constant 0 : index
      %get3A_49 = vector.load %arg4[%get3A_47, %get3A_48] : memref<1x256xf32, #tpu.memory_space<vmem>>, vector<1x256xf32>
      %add3A_50 = vector.broadcast %get3A_49 : vector<1x256xf32> to vector<128x256xf32>
      %add3A_51 = arith.addf %dot_general3A_46, %add3A_50 : vector<128x256xf32>
      %swap3A_52 = arith.constant 0 : index
      %swap3A_53 = arith.constant 0 : index
      %swap3A_54 = vector.load %arg5[%swap3A_52, %swap3A_53] : memref<128x256xf32, #tpu.memory_space<vmem>>, vector<128x256xf32>
      tpu.vector_store %arg5[%swap3A_52, %swap3A_53], %add3A_51 {strides = array<i32>} : memref<128x256xf32, #tpu.memory_space<vmem>>, vector<128x256xf32>,
    } else {
    }
    return
  }
  func.func @transform_0(%arg0: i32) -> (i32, i32, i32, i32) {
    %c0_i32 = arith.constant 0 : i32
    %c0_i32_0 = arith.constant 0 : i32
    %c0_i32_1 = arith.constant 0 : i32
    %c0_i32_2 = arith.constant 0 : i32
    return %arg0, %c0_i32, %c0_i32_0, %c0_i32_1 : i32, i32, i32, i32
  }
  func.func @transform_1(%arg0: i32) -> (i32, i32) {
    %c0_i32 = arith.constant 0 : i32
    %c0_i32_0 = arith.constant 0 : i32
    %c0_i32_1 = arith.constant 0 : i32
    return %c0_i32, %c0_i32_0 : i32, i32
  }
  func.func @transform_2(%arg0: i32) -> (i32, i32) {
    %c0_i32 = arith.constant 0 : i32
    %c0_i32_0 = arith.constant 0 : i32
    %c0_i32_1 = arith.constant 0 : i32
    return %c0_i32, %c0_i32_0 : i32, i32
  }
  func.func @transform_3(%arg0: i32) -> (i32, i32) {
    %c0_i32 = arith.constant 0 : i32
    %c0_i32_0 = arith.constant 0 : i32
    %c0_i32_1 = arith.constant 0 : i32
    return %c0_i32, %c0_i32_0 : i32, i32
  }
  func.func @transform_4(%arg0: i32) -> (i32, i32) {
    %c0_i32 = arith.constant 0 : i32
    %c0_i32_0 = arith.constant 0 : i32
    %c0_i32_1 = arith.constant 0 : i32
    return %c0_i32, %c0_i32_0 : i32, i32
  }
}

</mosaic_0001>

<sc_bundles>
// kernel: kernel.4.cloned.1.call-start
scs
__scs_entry_jumppad:
0x0: {  	(pc) =	sbr.rel $0x88, $3  }
0x1: {  	(tag) =	ssettag $0x0;
	lr =	simm.s32 $0x1  }
0x2: {  	[smem:$0x3F9D] =	sst lr;
	_ =	strace $0xD0000000  }
0x3: {  	_ = 	snop  }
0x4: {  	_ = 	snop  }
0x5: {  	_ = 	snop  }
0x6: {  	_ = 	snop  }
0x7: {  	_ = 	snop  }
__scs_overlays_trampoline_lowered:
0x8: {  	[smem:$0x3FAC] =	sst s0  }
0x9: {  	[smem:$0x3FAD] =	sst s1  }
0xa: {  	[smem:$0x3FAE] =	sst s2  }
0xb: {  	[smem:$0x3FAF] =	sst s3  }
0xc: {  	[smem:$0x3FB0] =	sst s4  }
0xd: {  	[smem:$0x3FB1] =	sst s5  }
0xe: {  	[smem:$0x3FB2] =	sst s6  }
0xf: {  	[smem:$0x3FB3] =	sst s7  }
0x10: {  	[smem:$0x3FB4] =	sst s8  }
0x11: {  	[smem:$0x3FB5] =	sst s9;
	s0 =	simm.s32 @!p0 $0x0  }
0x12: {  	s1 =	sld [smem:$0x3F9B];
	s0 =	simm.s32 @p0 $0x1  }
0x13: {  	[smem:$0x3FB6] =	sst s0;
	s0 =	simm.s32 @!p1 $0x0  }
0x14: {  	s2 =	sld [smem:$0x3F9A];
	s0 =	simm.s32 @p1 $0x1  }
0x15: {  	[smem:$0x3FB7] =	sst s0;
	s0 =	simm.s32 @!p2 $0x0  }
0x16: {  	s3 =	sld [smem:$0x3FDB];
	s0 =	simm.s32 @p2 $0x1  }
0x17: {  	s4 =	simm.s32 $0x1BF5;
	[smem:$0x3FB9] =	sst s0  }
0x18: {  	s0 =	sld [smem:$0x3F9C];
	_ =	swait.ge [sflag:s4], $0x0  }
0x19: {  	s7 =	sld [smem:$0x3F9D]  }
0x1a: {  	s8 =	sadd.s32 $0xFFFFE003, lr  }
0x1b: {  	s9 =	sadd.s32 $0xFFFFFEF7, lr;
	s5 =	simm.s32 $0xFFFFFFFF;
	p2 =	slt.u32 s8, $0xFFFFF086  }
0x1c: {  	p1 =	slt.u32 s9, $0xF7A;
	s5 =	simm.s32 @!p2 $0x0  }
0x1d: {  	s5 =	simm.s32 @p1 $0x1;
	p0 =	seq.s32 s7, s2  }
0x1e: {  	s7 =	smul.u32 @!p0 $0xF7A, s2;
	p2 =	seq.s32 @!p0 s5, $0x0  }
0x1f: {  	s9 =	smul.u32 $0xF7A, s1;
	s8 =	simm.s32 @!p0 $0x1BF5;
	p2 =	por !p2, p0  }
0x20: {  	[sflag:s8] =	ssyncset.s32 @!p0 $0xFFFFF086;
	s6 =	sadd.s32 @!p0 s3, s7;
	s7 =	simm.s32 @!p0 $0x108  }
0x21: {  	s3 =	sadd.s32 s3, s9;
	s6 =	sadd.s32 @!p0 $0x88, s6;
	s7 =	simm.s32 @p2 $0x1082  }
0x22: {  	[simem:s7], [sflag:s8] =	dma.local @!p0 [hbm:s6], $0xF7A  }
0x23: {  	s9 =	sor.u32 $0xD0000000, s2;
	s6 =	simm.s32 $0x108;
	_ =	swait.ge @!p0 [sflag:s8], $0x0  }
0x24: {  	s3 =	sadd.s32 $0x88, s3;
	s6 =	simm.s32 @!p1 $0x1082;
	[sflag:s4] =	ssyncset.s32 $0xFFFFF086  }
0x25: {  	[simem:s6], [sflag:s4] =	dma.local [hbm:s3], $0xF7A  }
0x26: {  	[smem:$0x3F9D] =	sst s1;
	(tag) =	ssettag s2;
	_ =	strace s9  }
0x27: {  	s1 =	sld [smem:$0x3FAD]  }
0x28: {  	s2 =	sld [smem:$0x3FAE]  }
0x29: {  	s4 =	sld [smem:$0x3FB0]  }
0x2a: {  	p0 =	seq.s32 s5, $0x0;
	s5 =	sld [smem:$0x3FB1]  }
0x2b: {  	s6 =	sld [smem:$0x3FB2]  }
0x2c: {  	s7 =	sld [smem:$0x3FB3]  }
0x2d: {  	s3 =	simm.s32 $0x108;
	s8 =	sld [smem:$0x3FB4]  }
0x2e: {  	s3 =	simm.s32 @!p0 $0x1082;
	s9 =	sld [smem:$0x3FB5]  }
0x2f: {  	lr =	sadd.s32 s0, s3;
	s0 =	sld [smem:$0x3FAC]  }
0x30: {  	s3 =	sld [smem:$0x3FAF]  }
0x31: {  	[smem:$0x3FB8] =	sst s10  }
0x32: {  	s10 =	sld [smem:$0x3FB6];
	_ =	sdelay $0x3  }
0x33: {  	p0 =	seq.s32 s10, $0x1;
	s10 =	sld [smem:$0x3FB8];
	_ =	sdelay $0x3  }
0x34: {  	[smem:$0x3FB8] =	sst s10  }
0x35: {  	s10 =	sld [smem:$0x3FB7];
	_ =	sdelay $0x3  }
0x36: {  	p1 =	seq.s32 s10, $0x1;
	s10 =	sld [smem:$0x3FB8];
	_ =	sdelay $0x3  }
0x37: {  	[smem:$0x3FB8] =	sst s10  }
0x38: {  	s10 =	sld [smem:$0x3FB9]  }
0x39: {  	_ = 	snop;
	(pc) =	sbr.ind lr, $3  }
0x3a: {  	_ = 	snop  }
0x3b: {  	_ = 	snop  }
0x3c: {  	p2 =	seq.s32 s10, $0x1;
	s10 =	sld [smem:$0x3FB8]  }
0x3d: {  	_ =	shalt  }
0x3e: {  	_ =	shalt  }
0x3f: {  	_ =	shalt  }
0x40: {  	_ =	shalt  }
0x41: {  	_ =	shalt  }
0x42: {  	_ =	shalt  }
0x43: {  	_ =	shalt  }
0x44: {  	_ =	shalt  }
0x45: {  	_ =	shalt  }
0x46: {  	_ =	shalt  }
0x47: {  	_ =	shalt  }
0x48: {  	_ =	shalt  }
0x49: {  	_ =	shalt  }
0x4a: {  	_ =	shalt  }
0x4b: {  	_ =	shalt  }
0x4c: {  	_ =	shalt  }
0x4d: {  	_ =	shalt  }
0x4e: {  	_ =	shalt  }
0x4f: {  	_ =	shalt  }
0x50: {  	_ =	shalt  }
0x51: {  	_ =	shalt  }
0x52: {  	_ =	shalt  }
0x53: {  	_ =	shalt  }
0x54: {  	_ =	shalt  }
0x55: {  	_ =	shalt  }
0x56: {  	_ =	shalt  }
0x57: {  	_ =	shalt  }
0x58: {  	_ =	shalt  }
0x59: {  	_ =	shalt  }
0x5a: {  	_ =	shalt  }
0x5b: {  	_ =	shalt  }
0x5c: {  	_ =	shalt  }
0x5d: {  	_ =	shalt  }
0x5e: {  	_ =	shalt  }
0x5f: {  	_ =	shalt  }
0x60: {  	_ =	shalt  }
0x61: {  	_ =	shalt  }
0x62: {  	_ =	shalt  }
0x63: {  	_ =	shalt  }
0x64: {  	_ =	shalt  }
0x65: {  	_ =	shalt  }
0x66: {  	_ =	shalt  }
0x67: {  	_ =	shalt  }
0x68: {  	_ =	shalt  }
0x69: {  	_ =	shalt  }
0x6a: {  	_ =	shalt  }
0x6b: {  	_ =	shalt  }
0x6c: {  	_ =	shalt  }
0x6d: {  	_ =	shalt  }
0x6e: {  	_ =	shalt  }
0x6f: {  	_ =	shalt  }
0x70: {  	_ =	shalt  }
0x71: {  	_ =	shalt  }
0x72: {  	_ =	shalt  }
0x73: {  	_ =	shalt  }
0x74: {  	_ =	shalt  }
0x75: {  	_ =	shalt  }
0x76: {  	_ =	shalt  }
0x77: {  	_ =	shalt  }
0x78: {  	_ =	shalt  }
0x79: {  	_ =	shalt  }
0x7a: {  	_ =	shalt  }
0x7b: {  	_ =	shalt  }
0x7c: {  	_ =	shalt  }
0x7d: {  	_ =	shalt  }
0x7e: {  	_ =	shalt  }
0x7f: {  	_ =	shalt  }
0x80: {  	_ =	shalt  }
0x81: {  	_ =	shalt  }
0x82: {  	_ =	shalt  }
0x83: {  	_ =	shalt  }
0x84: {  	_ =	shalt  }
0x85: {  	_ =	shalt  }
0x86: {  	_ =	shalt  }
0x87: {  	_ =	shalt  }
.Lfunc_end0:
.L_simem_size_0:
called_computation_lowered:
.L_overlay_start_0:
0x88: {  	s2 =	sld [smem:$0x3FD9]  }
0x89: {  	s3 =	sld [smem:$0x3FFE];
	_ =	sdelay $0x1  }
0x8a: {  	s1 =	srdreg.scid  }
0x8b: {  	s0 =	sand.u32 $0x1, s1  }
0x8c: {  	s17 =	sshll.u32 s0, $0xA;
	s2 =	sadd.s32 s3, s2  }
0x8d: {  	s2 =	sadd.s32 s2, s17  }
0x8e: {  	[smem:$0x3FC4] =	sst s2  }
0x8f: {  	_ = 	snop  }
0x90: {  	s2 =	sld [smem:$0x3FD0];
	(tm) =	ssettm $0x1  }
0x91: {  	s18 =	sld [smem:$0x3FFB];
	_ =	sdelay $0x3  }
0x92: {  	_ =	strace s18  }
0x93: {  	s3 =	sld [smem:$0x3FFC];
	_ =	sdelay $0x3  }
0x94: {  	_ =	strace s3  }
0x95: {  	s3 =	sld [smem:$0x3FFD];
	_ =	sdelay $0x3  }
0x96: {  	_ =	strace s3  }
0x97: {  	_ =	strace $0x8FFFFFFF  }
0x98: {  	s19 =	sld [smem:$0x3FDB];
	_ =	sdelay $0x1  }
0x99: {  	s4 =	simm.s32 $_scs_section_size  }
0x9a: {  	s5 =	simm.s32 $_size__tile_overlayer_lowered;
	s6 =	simm.s32 $_tile_overlayer_lowered  }
0x9b: {  	s22 =	simm.s32 $0x1BFF;
	s21 =	sshll.u32 s6, $0x1;
	s3 =	sadd.s32 s4, s19  }
0x9c: {  	s7 =	simm.s32 $0x0;
	s20 =	sshll.u32 s5, $0x1;
	s5 =	sadd.s32 s21, s3  }
0x9d: {  	[timem:s7], [sflag:s22] =	dma.local [hbm:s5], s20  }
0x9e: {  	_ =	swait.ge [sflag:s22], s20  }
0x9f: {  	s4 =	ssub.s32 $0x0, s20;
	[sflag:s22] =	ssyncset.done $0x0  }
0xa0: {  	[sflag:s22] =	ssyncadd.s32 s4;
	_ =	sdelay $0x1  }
0xa1: {  	s23 =	simm.s32 $0x1B8B  }
0xa2: {  	_ =	swait.ge [sflag:s23], $0x1  }
0xa3: {  	[sflag:s23] =	ssyncset.done $0x0  }
0xa4: {  	s25 =	simm.s32 $0x1B8E;
	s24 =	sld [smem:$0x3FFE];
	[sflag:s23] =	ssyncadd.s32 $0xFFFFFFFF  }
0xa5: {  	s26 =	simm.s32 $execute0_lowered;
	[smem:$0x3FD2] =	sst s25  }
0xa6: {  	s5 =	sshll.u32 s26, $0x1;
	_ =	strace $0x80000046;
	[dreg:$0x1] =	wrdreg $0xFFFFFFFF  }
0xa7: {  	s28 =	simm.s32 $_size_execute0_lowered;
	s3 =	sadd.s32 s3, s5;
	[dreg:$0x0] =	wrdreg $0x0  }
0xa8: {  	s5 =	sshll.u32 s28, $0x1;
	[dreg:$0x2] =	wrdreg s3  }
0xa9: {  	[dreg:$0x3] =	wrdreg s5  }
0xaa: {  	[dreg:$0x4] =	wrdreg $0xC0  }
0xab: {  	_ =	task [dreg:s7], $0x5FFFF  }
0xac: {  	[dreg:$0x1] =	wrdreg $0xFFFFFFFF  }
0xad: {  	[dreg:$0x0] =	wrdreg $0x60  }
0xae: {  	[dreg:$0x2] =	wrdreg s24  }
0xaf: {  	[dreg:$0x3] =	wrdreg s2  }
0xb0: {  	[dreg:$0x4] =	wrdreg $0x9  }
0xb1: {  	_ =	task.clear_ibuf [dreg:s7], $0x5FFFF;
	_ =	strace $0x90000046  }
0xb2: {  	s29 =	simm.s32 $0x9;
	_ =	strace $0x80000048  }
0xb3: {  	_ =	swait.ge [sflag:s29], $0x1  }
0xb4: {  	[sflag:s29] =	ssyncadd.s32 $0xFFFFFFFF  }
0xb5: {  	_ =	strace $0x90000048  }
0xb6: {  	_ =	sfence  }
0xb7: {  	s30 =	sld [smem:$0x0];
	_ =	sdelay $0x2  }
0xb8: {  	s31 =	sshll.u32 s1, $0xD;
	s1 =	sshrl.u32 s1, $0x2  }
0xb9: {  	s3 =	sand.u32 $0x4000, s31;
	s1 =	sadd.s32 s1, s30  }
0xba: {  	s0 =	sor.u32 s3, s0;
	s1 =	sshll.u32 s1, $0x11  }
0xbb: {  	s0 =	sor.u32 s1, s0  }
0xbc: {  	s0 =	sadd.s32 $0x8F2B, s0  }
0xbd: {  	[sflag:s0] =	ssyncadd.remote.s32 $0x1  }
0xbe: {  	_ =	sfence.sel $0xFFFF  }
0xbf: {  	[dreg:$0x0] =	wrdreg $0xFFFFFFFF;
	(pc) =	sbr.abs _section_cstart, $3  }
0xc0: {  	[dreg:$0x1] =	wrdreg $0xFFFFFFFF  }
0xc1: {  	_ =	task.clear_ibuf [dreg:s7], $0x2FFFF;
	_ =	strace $0x9FFFFFFF  }
0xc2: {  	(tm) =	ssettm $0x7FFFFFFF  }
0xc3: {  	_ =	shalt  }
tec
execute0_lowered:
.L_overlay_start_1:
0x0: {  	(tag) =	ssettag $0x1  }
0x1: {  	s0 =	rddreg [dreg:$0x0];
	s3 =	simm.s32 $0x0  }
0x2: {  	s1 =	srdreg.scid;
	s11 =	stileid.u32;
	s14 =	simm.s32 $0x1  }
0x3: {  	s15 =	simm.s32 $0x8000;
	s19 =	simm.s32 $0x10000;
	s20 =	simm.s32 $0x0  }
0x4: {  	[smem:$0x7FF] =	sst s3;
	s1 =	sand.u32 $0x1, s1;
	s2 =	sshll.u32 s11, $0x1  }
0x5: {  	s4 =	sadd.s32 $0x1600, s0;
	s5 =	sadd.s32 $0x1400, s0;
	s13 =	smul.u32 $0xC40, s11  }
0x6: {  	s2 =	sor.u32 s1, s2;
	s10 =	ssub.s32 $0x2, s1;
	s1 =	smul.u32 $0xFFFFF9E0, s1  }
.Ltmp0:
0x7: {  	s6 =	sadd.s32 $0x1000, s0;
	s9 =	sadd.s32 $0x189600, s0;
	(pc) =	sbr.rel .LBB2_1-.Ltmp0, $4  }
0x8: {  	s8 =	sadd.s32 $0x1200, s0;
	_ =	strace $0x80000047;
	s7 =	smul.u32 $0x620, s2  }
0x9: {  	s16 =	smul.u32 $0xE, s2;
	s2 =	sshll.u32 s2, $0xD;
	s31 =	sshrl.u32 s10, $0x1  }
0xa: {  	s0 =	sadd.s32 s2, s0;
	s2 =	ssub.s32 s10, s31;
	s13 =	ssub.s32 s1, s13  }
0xb: {  	s10 =	sadd.s32 $0x18A600, s0;
	s11 =	sadd.s32 $0x18B600, s0;
	s12 =	smax.u32 s2, $0x1;
	v0 =	vmov s16  }
.LBB2_13:
0xc: {  	[hbm4b:s10+s3] =	stream.linear.scatter [tilespmem:s3], [sflag:$0x1], $0x8000, $0x38;
	[tilespmem:$0x17500] =	vst v63  }
0xd: {  	s20 =	sadd.s32 $0x1, s20;
	_ =	swait.ge [sflag:s14], $0x8000  }
0xe: {  	p0 =	sne.s32 s20, s12;
	[sflag:s14] =	ssyncset.done $0x0  }
.Ltmp1:
0xf: {  	[sflag:s14] =	ssyncadd.s32 $0xFFFF8000;
	(pc) =	sbr.rel @!p0 .LBB2_14-.Ltmp1, $4  }
0x10: {  	[hbm4b:s11+s3] =	stream.linear.scatter [tilespmem:s15], [sflag:$0x1], $0x8000, $0x38;
	[tilespmem:$0x17500] =	vst v63  }
0x11: {  	_ =	swait.ge [sflag:s14], $0x8000  }
0x12: {  	[sflag:s14] =	ssyncset.done $0x0  }
0x13: {  	[sflag:s14] =	ssyncadd.s32 $0xFFFF8000  }
.LBB2_1:
0x14: {  	s0 =	rddreg [dreg:$0x1]  }
0x15: {  	[tilespmem:s3], [sflag:$0x1] =	stream.linear.gather [hbm4b:s0+s3], $0x8000, $0x38;
	[tilespmem:$0x17500] =	vst v63  }
0x16: {  	_ =	swait.ge [sflag:s14], $0x8000  }
0x17: {  	[sflag:s14] =	ssyncset.done $0x0  }
0x18: {  	[sflag:s14] =	ssyncadd.s32 $0xFFFF8000  }
0x19: {  	[tilespmem:s15], [sflag:$0x1] =	stream.linear.gather [hbm4b:s9+s3], $0x8000, $0x38;
	[tilespmem:$0x17500] =	vst v63  }
0x1a: {  	_ =	swait.ge [sflag:s14], $0x8000  }
0x1b: {  	[sflag:s14] =	ssyncset.done $0x0  }
0x1c: {  	s29 =	simm.s32 $0x17000;
	[sflag:s14] =	ssyncadd.s32 $0xFFFF8000  }
0x1d: {  	[tilespmem:s29], [sflag:$0x1] =	stream.linear.gather [hbm4b:s5+s3], $0x100, $0x38;
	[tilespmem:$0x17500] =	vst v63  }
0x1e: {  	_ =	swait.ge [sflag:s14], $0x100  }
0x1f: {  	[sflag:s14] =	ssyncset.done $0x0  }
0x20: {  	s30 =	simm.s32 $0x17100;
	[sflag:s14] =	ssyncadd.s32 $0xFFFFFF00  }
0x21: {  	[tilespmem:s30], [sflag:$0x1] =	stream.linear.gather [hbm4b:s6+s3], $0x200, $0x38;
	[tilespmem:$0x17500] =	vst v63  }
0x22: {  	_ =	swait.ge [sflag:s14], $0x200  }
0x23: {  	[sflag:s14] =	ssyncset.done $0x0  }
.Ltmp2:
0x24: {  	s31 =	simm.s32 $0x17300;
	[sflag:s14] =	ssyncadd.s32 $0xFFFFFE00;
	(pc) =	sbr.rel .LBB2_2-.Ltmp2, $4  }
0x25: {  	[tilespmem:s31], [sflag:$0x1] =	stream.linear.gather [hbm4b:s8+s3], $0x200, $0x38;
	[tilespmem:$0x17500] =	vst v63  }
0x26: {  	_ =	swait.ge [sflag:s14], $0x200  }
0x27: {  	[sflag:s14] =	ssyncset.done $0x0  }
0x28: {  	s21 =	smov.u32 s13;
	s22 =	simm.s32 $0x0;
	[sflag:s14] =	ssyncadd.s32 $0xFFFFFE00  }
.LBB2_12:
0x29: {  	s22 =	sadd.s32 $0x1, s22  }
0x2a: {  	p0 =	sne.s32 s22, $0xE  }
.Ltmp3:
0x2b: {  	_ = 	snop;
	(pc) =	sbr.rel @!p0 .LBB2_13-.Ltmp3, $2  }
0x2c: {  	_ =	sdelay $0x2  }
0x2d: {  	s21 =	sadd.s32 $0xFFFFFF90, s21  }
.LBB2_2:
0x2e: {  	s0 =	smul.u32 $0x70, s22;
	_ =	sdelay $0x1  }
0x2f: {  	s23 =	sadd.s32 s7, s0  }
0x30: {  	s0 =	sshll.u32 s23, $0x5  }
0x31: {  	s24 =	simm.s32 $0x0;
	s0 =	sadd.s32 s4, s0  }
0x32: {  	[tilespmem:s19], [sflag:$0x1] =	stream.linear.gather [hbm4b:s0+s24], $0x7000, $0x38;
	[tilespmem:$0x17500] =	vst v63  }
0x33: {  	_ =	swait.ge [sflag:s14], $0x7000  }
0x34: {  	[sflag:s14] =	ssyncset.done $0x0  }
0x35: {  	[sflag:s14] =	ssyncadd.s32 $0xFFFF9000  }
0x36: {  	v1 =	vld.idx.msk [tilespmem:v0+s22+$0x17100 ss:$0x1], $0xffff  }
0x37: {  	v2 =	vld.idx.msk [tilespmem:v0+s22+$0x17300 ss:$0x1], $0xffff;
	_ =	sdelay $0x3  }
0x38: {  	(v2sf) =	vpush v1, $0x0  }
0x39: {  	(v2sf) =	vpush v2, $0x0;
	_ =	sdelay $0xd  }
0x3a: {  	s25 =	spop (v2sf)  }
0x3b: {  	s31 =	spop (v2sf)  }
0x3c: {  	s26 =	ssub.s32 s31, s25  }
0x3d: {  	p0 =	sgt.u32 s26, $0x7FFFFFFE  }
.Ltmp4:
0x3e: {  	_ = 	snop;
	(pc) =	sbr.rel @p0 .LBB2_12-.Ltmp4, $4  }
.Ltmp5:
0x3f: {  	_ = 	snop;
	(pc) =	sbr.rel @!p0 .LBB2_3-.Ltmp5, $4  }
0x40: {  	_ = 	snop  }
0x41: {  	_ = 	snop  }
0x42: {  	_ = 	snop  }
0x43: {  	_ = 	snop  }
.LBB2_10:
0x44: {  	v25 =	vld [tilespmem:s31+$0x440]  }
0x45: {  	v26 =	vld [tilespmem:s31+$0x450]  }
0x46: {  	v3 =	vadd.f32 v4, v1;
	v27 =	vld [tilespmem:s31+$0x460]  }
0x47: {  	v4 =	vmax.f32 v2, v4;
	v2 =	vadd.f32 v19, v5;
	v1 =	vmax.f32 v6, v19  }
0x48: {  	v23 =	vadd.f32 v20, v7;
	v24 =	vmax.f32 v8, v20;
	v19 =	vadd.f32 v21, v9  }
0x49: {  	v20 =	vmax.f32 v10, v21;
	v9 =	vadd.f32 v22, v11;
	v12 =	vmax.f32 v12, v22  }
0x4a: {  	v7 =	vadd.f32 v25, v13;
	v11 =	vmax.f32 v14, v25;
	v6 =	vadd.f32 v26, v15  }
0x4b: {  	v10 =	vmax.f32 v16, v26;
	v5 =	vadd.f32 v27, v17;
	v8 =	vmax.f32 v18, v27  }
.LBB2_11:
0x4c: {  	s0 =	sor.u32 $0x400, s29  }
0x4d: {  	v13 =	vld [tilespmem:s0+$0x0];
	_ =	sdelay $0x4  }
0x4e: {  	v2 =	vadd.f32 v13, v2;
	_ =	sdelay $0x1  }
0x4f: {  	[tilespmem:s0+$0x0] =	vst v2  }
0x50: {  	v2 =	vld [tilespmem:s29+$0x8400];
	_ =	sdelay $0x4  }
0x51: {  	v1 =	vmax.f32 v2, v1  }
0x52: {  	s1 =	sor.u32 $0x410, s29;
	[tilespmem:s29+$0x8400] =	vst v1  }
0x53: {  	v1 =	vld [tilespmem:s1+$0x0];
	_ =	sdelay $0x4  }
0x54: {  	v1 =	vadd.f32 v1, v23;
	_ =	sdelay $0x1  }
0x55: {  	[tilespmem:s1+$0x0] =	vst v1  }
0x56: {  	v1 =	vld [tilespmem:s29+$0x8410];
	_ =	sdelay $0x4  }
0x57: {  	v1 =	vmax.f32 v1, v24  }
0x58: {  	s2 =	sor.u32 $0x420, s29;
	[tilespmem:s29+$0x8410] =	vst v1  }
0x59: {  	v1 =	vld [tilespmem:s2+$0x0];
	_ =	sdelay $0x4  }
0x5a: {  	v1 =	vadd.f32 v1, v19;
	_ =	sdelay $0x1  }
0x5b: {  	[tilespmem:s2+$0x0] =	vst v1  }
0x5c: {  	v1 =	vld [tilespmem:s29+$0x8420];
	_ =	sdelay $0x4  }
0x5d: {  	v1 =	vmax.f32 v1, v20  }
0x5e: {  	s16 =	sor.u32 $0x430, s29;
	[tilespmem:s29+$0x8420] =	vst v1  }
0x5f: {  	v1 =	vld [tilespmem:s16+$0x0];
	_ =	sdelay $0x4  }
0x60: {  	v1 =	vadd.f32 v1, v9;
	_ =	sdelay $0x1  }
0x61: {  	[tilespmem:s16+$0x0] =	vst v1  }
0x62: {  	v1 =	vld [tilespmem:s29+$0x8430];
	_ =	sdelay $0x4  }
0x63: {  	v1 =	vmax.f32 v1, v12  }
0x64: {  	s17 =	sor.u32 $0x440, s29;
	[tilespmem:s29+$0x8430] =	vst v1  }
0x65: {  	v1 =	vld [tilespmem:s17+$0x0];
	_ =	sdelay $0x4  }
0x66: {  	v1 =	vadd.f32 v1, v7;
	_ =	sdelay $0x1  }
0x67: {  	[tilespmem:s17+$0x0] =	vst v1  }
0x68: {  	v1 =	vld [tilespmem:s29+$0x8440];
	_ =	sdelay $0x4  }
0x69: {  	v1 =	vmax.f32 v1, v11  }
0x6a: {  	s18 =	sor.u32 $0x450, s29;
	[tilespmem:s29+$0x8440] =	vst v1  }
0x6b: {  	v1 =	vld [tilespmem:s18+$0x0];
	_ =	sdelay $0x4  }
0x6c: {  	v1 =	vadd.f32 v1, v6;
	_ =	sdelay $0x1  }
0x6d: {  	[tilespmem:s18+$0x0] =	vst v1  }
0x6e: {  	v1 =	vld [tilespmem:s29+$0x8450];
	_ =	sdelay $0x4  }
0x6f: {  	v1 =	vmax.f32 v1, v10  }
0x70: {  	s28 =	sor.u32 $0x460, s29;
	[tilespmem:s29+$0x8450] =	vst v1  }
0x71: {  	v1 =	vld [tilespmem:s28+$0x0];
	_ =	sdelay $0x4  }
0x72: {  	v1 =	vadd.f32 v1, v5;
	_ =	sdelay $0x1  }
0x73: {  	[tilespmem:s28+$0x0] =	vst v1  }
0x74: {  	v1 =	vld [tilespmem:s29+$0x8460];
	_ =	sdelay $0x4  }
0x75: {  	v1 =	vmax.f32 v1, v8  }
0x76: {  	s30 =	sor.u32 $0x470, s29;
	[tilespmem:s29+$0x8460] =	vst v1  }
0x77: {  	v1 =	vld [tilespmem:s30+$0x0];
	_ =	sdelay $0x4  }
0x78: {  	v1 =	vadd.f32 v1, v3;
	_ =	sdelay $0x1  }
0x79: {  	[tilespmem:s30+$0x0] =	vst v1  }
0x7a: {  	v1 =	vld [tilespmem:s29+$0x8470]  }
0x7b: {  	p0 =	sne.s32 s24, s26  }
.Ltmp6:
0x7c: {  	_ = 	snop;
	(pc) =	sbr.rel @!p0 .LBB2_12-.Ltmp6, $3  }
0x7d: {  	_ =	sdelay $0x1  }
0x7e: {  	s31 =	sadd.s32 $0x1, s24;
	v1 =	vmax.f32 v1, v4  }
0x7f: {  	s24 =	smov.u32 s31;
	[tilespmem:s29+$0x8470] =	vst v1  }
.LBB2_3:
0x80: {  	s29 =	sadd.s32 s25, s24  }
0x81: {  	v1 =	vld [tilespmem:s29+$0x17000]  }
0x82: {  	v2 =	vld [tilespmem:s29+$0x17001];
	_ =	sdelay $0x3  }
0x83: {  	(v2sf) =	vpush v1, $0x0  }
0x84: {  	(v2sf) =	vpush v2, $0x0;
	_ =	sdelay $0xd  }
0x85: {  	s0 =	spop (v2sf)  }
0x86: {  	s1 =	spop (v2sf)  }
0x87: {  	s30 =	ssub.s32 s0, s23;
	s1 =	ssub.s32 s1, s23  }
0x88: {  	p0 =	sgt.s32 s30, $0x0;
	p1 =	slt.s32 s1, $0x70  }
0x89: {  	s30 =	simm.s32 @!p0 $0x0;
	s1 =	simm.s32 @!p1 $0x70  }
0x8a: {  	v3 =	vimm.f32 $0.0e+00;
	v22 =	vimm.f32 $0.0e+00;
	v20 =	vimm.f32 $0.0e+00;
	p0 =	sle.s32 s1, s30  }
.Ltmp7:
0x8b: {  	v9 =	vimm.f32 $0.0e+00;
	v8 =	vimm.f32 $0.0e+00;
	v7 =	vimm.f32 $0.0e+00;
	(pc) =	sbr.rel @p0 .LBB2_7-.Ltmp7, $4  }
0x8c: {  	v6 =	vimm.f32 $0.0e+00;
	v5 =	vimm.f32 $0.0e+00;
	v4 =	vimm.f32 $-Inf  }
0x8d: {  	v25 =	vimm.f32 $-Inf;
	v21 =	vimm.f32 $-Inf;
	v11 =	vimm.f32 $-Inf  }
0x8e: {  	v10 =	vimm.f32 $-Inf;
	v12 =	vimm.f32 $-Inf;
	v14 =	vimm.f32 $-Inf;
	s28 =	smov.u32 s30;
	p1 =	sgt.s32 s1, s30  }
0x8f: {  	v13 =	vimm.f32 $-Inf;
	v1 =	vimm.f32 $-Inf;
	v2 =	vimm.f32 $0.0e+00;
	s31 =	sadd.s32 s0, s21;
	s28 =	smov.u32 @p1 s1  }
0x90: {  	p1 =	sgt.s32 s31, $0x0;
	s0 =	smov.u32 s31  }
0x91: {  	s0 =	simm.s32 @!p1 $0x0  }
0x92: {  	s2 =	sshll.u32 s0, $0x7;
	s16 =	sshll.u32 s0, $0x8  }
0x93: {  	s0 =	sand.u32 $0xFFFFF800, s16;
	s1 =	sand.u32 $0x380, s2  }
0x94: {  	s0 =	sor.u32 s1, s0;
	s1 =	sadd.s32 $0x1, s30  }
0x95: {  	v5 =	vimm.f32 $0.0e+00;
	v4 =	vld [tilespmem:s0+$0x10000];
	s0 =	sadd.s32 $0x10000, s0;
	p1 =	slt.u32 s1, s28  }
.Ltmp8:
0x96: {  	v6 =	vimm.f32 $-Inf;
	v7 =	vimm.f32 $0.0e+00;
	v8 =	vimm.f32 $-Inf;
	v13 =	vld [tilespmem:s0+$0x70];
	(pc) =	sbr.rel @!p1 .LBB2_6-.Ltmp8, $4  }
0x97: {  	v9 =	vimm.f32 $0.0e+00;
	v10 =	vimm.f32 $-Inf;
	v11 =	vimm.f32 $0.0e+00;
	v20 =	vld [tilespmem:s0+$0x10]  }
0x98: {  	v12 =	vimm.f32 $-Inf;
	v14 =	vimm.f32 $0.0e+00;
	v15 =	vimm.f32 $-Inf;
	v21 =	vld [tilespmem:s0+$0x20]  }
0x99: {  	v16 =	vimm.f32 $0.0e+00;
	v17 =	vimm.f32 $-Inf;
	v18 =	vimm.f32 $0.0e+00;
	v23 =	vld [tilespmem:s0+$0x30]  }
0x9a: {  	v19 =	vimm.f32 $-Inf;
	s2 =	sadd.s32 $0x80, s2;
	s16 =	sadd.s32 $0x100, s16;
	v24 =	vld [tilespmem:s0+$0x40];
	v3 =	vadd.f32 v4, v5;
	v4 =	vmax.f32 v6, v4  }
.LBB2_5:
0x9b: {  	s17 =	sand.u32 $0xFFFFF800, s16;
	s18 =	sand.u32 $0x380, s2;
	s1 =	sadd.s32 $0x1, s1;
	v22 =	vld [tilespmem:s0+$0x50];
	v5 =	vadd.f32 v13, v5;
	v6 =	vmax.f32 v6, v13  }
0x9c: {  	s17 =	sor.u32 s18, s17;
	p1 =	slt.u32 s1, s28;
	v7 =	vadd.f32 v20, v7;
	v8 =	vmax.f32 v8, v20;
	v25 =	vld [tilespmem:s0+$0x60]  }
0x9d: {  	s0 =	sadd.s32 $0x10000, s17;
	v26 =	vld [tilespmem:s17+$0x10000];
	v9 =	vadd.f32 v21, v9;
	v10 =	vmax.f32 v10, v21  }
.Ltmp9:
0x9e: {  	v13 =	vld [tilespmem:s0+$0x70];
	v11 =	vadd.f32 v23, v11;
	v12 =	vmax.f32 v12, v23;
	(pc) =	sbr.rel @p1 .LBB2_5-.Ltmp9, $4  }
0x9f: {  	v20 =	vld [tilespmem:s0+$0x10];
	v14 =	vadd.f32 v24, v14;
	v15 =	vmax.f32 v15, v24  }
0xa0: {  	v21 =	vld [tilespmem:s0+$0x20];
	v16 =	vadd.f32 v22, v16;
	v17 =	vmax.f32 v17, v22  }
0xa1: {  	v23 =	vld [tilespmem:s0+$0x30];
	v18 =	vadd.f32 v25, v18;
	v19 =	vmax.f32 v19, v25  }
0xa2: {  	s2 =	sadd.s32 $0x80, s2;
	s16 =	sadd.s32 $0x100, s16;
	v3 =	vadd.f32 v26, v3;
	v4 =	vmax.f32 v4, v26;
	v24 =	vld [tilespmem:s0+$0x40]  }
.LBB2_6:
0xa3: {  	v26 =	vld [tilespmem:s0+$0x50]  }
0xa4: {  	v27 =	vld [tilespmem:s0+$0x60]  }
0xa5: {  	v5 =	vadd.f32 v13, v5;
	v13 =	vmax.f32 v6, v13  }
0xa6: {  	v22 =	vadd.f32 v20, v7;
	v25 =	vmax.f32 v8, v20;
	v20 =	vadd.f32 v21, v9  }
0xa7: {  	v21 =	vmax.f32 v10, v21;
	v9 =	vadd.f32 v23, v11;
	v11 =	vmax.f32 v12, v23  }
0xa8: {  	v8 =	vadd.f32 v24, v14;
	v10 =	vmax.f32 v15, v24;
	v7 =	vadd.f32 v26, v16  }
0xa9: {  	v12 =	vmax.f32 v17, v26;
	v6 =	vadd.f32 v27, v18;
	v14 =	vmax.f32 v19, v27  }
.LBB2_7:
0xaa: {  	s0 =	sshll.u32 s29, $0x8;
	s1 =	sshll.u32 s29, $0x7  }
0xab: {  	s0 =	sand.u32 $0xFFFFF800, s0;
	s1 =	sand.u32 $0x380, s1  }
0xac: {  	s29 =	sor.u32 s1, s0  }
0xad: {  	v15 =	vld [tilespmem:s29+$0x0]  }
0xae: {  	v16 =	vld [tilespmem:s29+$0x8000]  }
0xaf: {  	v24 =	vld [tilespmem:s29+$0x30]  }
0xb0: {  	v17 =	vld [tilespmem:s29+$0x10]  }
0xb1: {  	v18 =	vld [tilespmem:s29+$0x8010]  }
0xb2: {  	v19 =	vld [tilespmem:s29+$0x20]  }
0xb3: {  	v23 =	vld [tilespmem:s29+$0x8020];
	v3 =	vadd.f32 v15, v3  }
0xb4: {  	v26 =	vld [tilespmem:s29+$0x40];
	v9 =	vadd.f32 v24, v9  }
0xb5: {  	v15 =	vld [tilespmem:s29+$0x8030];
	[tilespmem:s29+$0x0] =	vst v3  }
0xb6: {  	v3 =	vmax.f32 v16, v4;
	v4 =	vadd.f32 v17, v22;
	v16 =	vld [tilespmem:s29+$0x8040];
	[tilespmem:s29+$0x30] =	vst v9  }
0xb7: {  	v17 =	vadd.f32 v19, v20;
	v19 =	vld [tilespmem:s29+$0x8060];
	[tilespmem:s29+$0x8000] =	vst v3  }
0xb8: {  	v3 =	vld [tilespmem:s29+$0x50];
	[tilespmem:s29+$0x10] =	vst v4  }
0xb9: {  	v4 =	vmax.f32 v18, v25;
	v18 =	vld [tilespmem:s29+$0x8050];
	[tilespmem:s29+$0x20] =	vst v17  }
0xba: {  	v8 =	vadd.f32 v26, v8;
	v17 =	vmax.f32 v23, v21;
	[tilespmem:s29+$0x8010] =	vst v4;
	v4 =	vld [tilespmem:s29+$0x60]  }
0xbb: {  	[tilespmem:s29+$0x8020] =	vst v17;
	v17 =	vld [tilespmem:s29+$0x70]  }
0xbc: {  	[tilespmem:s29+$0x40] =	vst v8;
	v9 =	vmax.f32 v15, v11;
	v11 =	vld [tilespmem:s29+$0x8070]  }
0xbd: {  	[tilespmem:s29+$0x8030] =	vst v9;
	v8 =	vmax.f32 v16, v10;
	v3 =	vadd.f32 v3, v7  }
0xbe: {  	v24 =	vimm.f32 $-Inf;
	[tilespmem:s29+$0x8040] =	vst v8  }
0xbf: {  	v20 =	vimm.f32 $-Inf;
	v23 =	vimm.f32 $0.0e+00;
	v7 =	vmax.f32 v18, v12;
	[tilespmem:s29+$0x50] =	vst v3  }
.Ltmp10:
0xc0: {  	v9 =	vimm.f32 $0.0e+00;
	v3 =	vadd.f32 v4, v6;
	v4 =	vmax.f32 v19, v14;
	[tilespmem:s29+$0x8050] =	vst v7;
	(pc) =	sbr.rel @p0 .LBB2_11-.Ltmp10, $4  }
0xc1: {  	v12 =	vimm.f32 $-Inf;
	v8 =	vadd.f32 v17, v5;
	v10 =	vmax.f32 v11, v13;
	[tilespmem:s29+$0x8060] =	vst v4  }
0xc2: {  	v19 =	vimm.f32 $0.0e+00;
	v7 =	vimm.f32 $0.0e+00;
	v6 =	vimm.f32 $0.0e+00;
	[tilespmem:s29+$0x8070] =	vst v10  }
0xc3: {  	v5 =	vimm.f32 $0.0e+00;
	v11 =	vimm.f32 $-Inf;
	v10 =	vimm.f32 $-Inf;
	[tilespmem:s29+$0x60] =	vst v3  }
0xc4: {  	v4 =	vimm.f32 $-Inf;
	v3 =	vimm.f32 $0.0e+00;
	[tilespmem:s29+$0x70] =	vst v8;
	v8 =	vimm.f32 $-Inf  }
0xc5: {  	p0 =	sgt.s32 s31, $0x0  }
0xc6: {  	s31 =	simm.s32 @!p0 $0x0  }
0xc7: {  	s1 =	sshll.u32 s31, $0x7;
	s2 =	sshll.u32 s31, $0x8  }
0xc8: {  	s0 =	sand.u32 $0xFFFFF800, s2;
	s16 =	sand.u32 $0x380, s1  }
0xc9: {  	s0 =	sor.u32 s16, s0  }
0xca: {  	s31 =	sadd.s32 $0x10000, s0;
	s0 =	sadd.s32 $0x1, s30  }
0xcb: {  	v1 =	vimm.f32 $0.0e+00;
	p0 =	slt.u32 s0, s28  }
.Ltmp11:
0xcc: {  	v2 =	vimm.f32 $-Inf;
	v5 =	vimm.f32 $0.0e+00;
	v6 =	vimm.f32 $-Inf;
	v4 =	vld [tilespmem:s31+$0x470];
	(pc) =	sbr.rel @!p0 .LBB2_10-.Ltmp11, $4  }
0xcd: {  	v7 =	vimm.f32 $0.0e+00;
	v8 =	vimm.f32 $-Inf;
	v9 =	vimm.f32 $0.0e+00;
	v19 =	vld [tilespmem:s31+$0x400]  }
0xce: {  	v10 =	vimm.f32 $-Inf;
	v11 =	vimm.f32 $0.0e+00;
	v12 =	vimm.f32 $-Inf;
	v20 =	vld [tilespmem:s31+$0x410]  }
0xcf: {  	v13 =	vimm.f32 $0.0e+00;
	v14 =	vimm.f32 $-Inf;
	v15 =	vimm.f32 $0.0e+00;
	v21 =	vld [tilespmem:s31+$0x420]  }
0xd0: {  	v16 =	vimm.f32 $-Inf;
	v17 =	vimm.f32 $0.0e+00;
	v18 =	vimm.f32 $-Inf;
	s1 =	sadd.s32 $0x80, s1;
	s2 =	sadd.s32 $0x100, s2;
	v22 =	vld [tilespmem:s31+$0x430]  }
.LBB2_9:
0xd1: {  	s16 =	sand.u32 $0xFFFFF800, s2;
	s17 =	sand.u32 $0x380, s1;
	s0 =	sadd.s32 $0x1, s0;
	v3 =	vld [tilespmem:s31+$0x440];
	v1 =	vadd.f32 v4, v1;
	v2 =	vmax.f32 v2, v4  }
0xd2: {  	v5 =	vadd.f32 v19, v5;
	v6 =	vmax.f32 v6, v19;
	s16 =	sor.u32 s17, s16;
	p0 =	slt.u32 s0, s28;
	v23 =	vld [tilespmem:s31+$0x450]  }
0xd3: {  	v7 =	vadd.f32 v20, v7;
	v8 =	vmax.f32 v8, v20;
	v24 =	vld [tilespmem:s31+$0x460];
	s31 =	sadd.s32 $0x10000, s16  }
.Ltmp12:
0xd4: {  	v9 =	vadd.f32 v21, v9;
	v10 =	vmax.f32 v10, v21;
	v4 =	vld [tilespmem:s31+$0x470];
	(pc) =	sbr.rel @p0 .LBB2_9-.Ltmp12, $4  }
0xd5: {  	v11 =	vadd.f32 v22, v11;
	v12 =	vmax.f32 v12, v22;
	v19 =	vld [tilespmem:s31+$0x400]  }
0xd6: {  	v20 =	vld [tilespmem:s31+$0x410];
	v13 =	vadd.f32 v3, v13;
	v14 =	vmax.f32 v14, v3  }
0xd7: {  	v21 =	vld [tilespmem:s31+$0x420];
	v15 =	vadd.f32 v23, v15;
	v16 =	vmax.f32 v16, v23  }
0xd8: {  	s1 =	sadd.s32 $0x80, s1;
	s2 =	sadd.s32 $0x100, s2;
	v22 =	vld [tilespmem:s31+$0x430];
	v17 =	vadd.f32 v24, v17;
	v18 =	vmax.f32 v18, v24  }
.Ltmp13:
0xd9: {  	_ = 	snop;
	(pc) =	sbr.rel .LBB2_10-.Ltmp13, $1  }
0xda: {  	_ =	sdelay $0x3  }
.LBB2_14:
0xdb: {  	_ =	sfence.sel $0x180000  }
0xdc: {  	[bflag:$0x0] =	sbarrier.arrive $0xFFFF  }
0xdd: {  	_ =	strace $0x90000047  }
0xde: {  	s0 =	stileid.u32;
	[bflag:$0x2] =	sbarrier.arrive $0xFFFF  }
0xdf: {  	p0 =	sne.s32 s0, $0x0;
	s0 =	rddreg [dreg:$0x2]  }
0xe0: {  	s0 =	sadd.s32 @!p0 $0x100000, s0  }
0xe1: {  	[sflag:s0] =	ssyncadd.tile.s32 @!p0 $0x1;
	_ =	shalt  }
.Lfunc_end2:
_tile_overlayer_lowered:
.L_overlay_start_2:
0xe2: {  	(tag) =	ssettag $0x2  }
0xe3: {  	s0 =	rddreg [dreg:$0x0];
	s2 =	stileid.u32  }
0xe4: {  	s1 =	rddreg [dreg:$0x1];
	p0 =	sne.s32 s2, $0x0  }
0xe5: {  	s3 =	rddreg [dreg:$0x2];
	[bflag:$0x3] =	sbarrier.arrive $0xFFFF;
	s2 =	simm.s32 @!p0 $0x1C01  }
0xe6: {  	[timem:s3], [sflag:s2] =	dma.local @!p0 [hbm:s0], s1  }
0xe7: {  	s0 =	simm.s32 @!p0 $0x1  }
0xe8: {  	_ =	swait.ge @!p0 [sflag:s0], s1  }
0xe9: {  	s1 =	ssub.s32 @!p0 $0x0, s1;
	[sflag:s0] =	ssyncset.done @!p0 $0x0  }
0xea: {  	[sflag:s0] =	ssyncadd.s32 @!p0 s1  }
0xeb: {  	[bflag:$0x3] =	sbarrier.arrive $0xFFFF  }
0xec: {  	_ =	shalt  }

</sc_bundles>
